<compile_context>
chip_gen: v7x
topology: tpu7x:2x2x1
jax: 0.10.2.dev20260603
libtpu: 0.0.44.dev20260713+nightly
codegen_flags: <defaults>
</compile_context>

<pallas_src>
import functools

import jax
import jax.numpy as jnp
from jax import lax
from jax.experimental import pallas as pl
from jax.experimental.pallas import tpu as pltpu
from jax.experimental.pallas import tpu_sc as plsc

NUM_USERS = 100000
BATCH = 1024
HIST = 200

NC = 2
NS = 16
NW = NC * NS
ROWS_PER_W = BATCH // NW
WORDS_PER_ROW = 3 * HIST
L = 16
GROUPS = ROWS_PER_W // L


def _sc_body(in_hbm, w_hbm, pre_hbm, dist_hbm, theta_hbm,
             table_s, table_v, in_v, pre_v, dist_v, theta_v, sem_t, sem_i):
    cid = lax.axis_index("c")
    sid = lax.axis_index("s")
    wid = sid * NC + cid

    cp_i = pltpu.async_copy(
        in_hbm.at[pl.ds(wid * ROWS_PER_W * WORDS_PER_ROW,
                        ROWS_PER_W * WORDS_PER_ROW)], in_v, sem_i)

    shard = 6256
    for k in range(NS):
        koff = min(k * shard, NUM_USERS - shard)

        @pl.when(sid == k)
        def _():
            pltpu.async_copy(w_hbm.at[pl.ds(koff, shard)],
                             table_v.at[pl.ds(0, shard)], sem_t).wait()
            pltpu.async_copy(table_v.at[pl.ds(0, shard)],
                             table_s.at[pl.ds(koff, shard)], sem_t).wait()
    plsc.subcore_barrier()
    cp_t = pltpu.async_copy(table_s, table_v, sem_t)
    cp_i.wait()
    cp_t.wait()

    iota = lax.iota(jnp.int32, L)
    zero = jnp.zeros((L,), jnp.float32)
    one = jnp.ones((L,), jnp.float32)

    for g in range(GROUPS):
        rowbase = (iota + g * L) * WORDS_PER_ROW

        UNROLL = 4

        def body(i, carry):
            valid, real, fake, cnt = carry
            base = rowbase + (3 * UNROLL) * i
            stances = [plsc.load_gather(in_v, [base + 3 * u])
                       for u in range(UNROLL)]
            uids = [plsc.load_gather(in_v, [base + 3 * u + 2])
                    for u in range(UNROLL)]
            uws = [plsc.load_gather(table_v, [uid]) for uid in uids]
            for u in range(UNROLL):
                valid = valid * jnp.where(stances[u] != 3, one, zero)
                vm = uws[u] * valid
                rc = jnp.where(stances[u] == 0, vm, zero)
                real = real + rc
                fake = fake + (vm - rc)
                cnt = cnt + valid
            return valid, real, fake, cnt

        valid, real, fake, cnt = lax.fori_loop(
            0, HIST // UNROLL, body, (one, zero, zero, zero))

        m = jnp.maximum(real, fake)
        er = jnp.exp(real - m)
        ef = jnp.exp(fake - m)
        s = er + ef
        p0 = er / s
        p1 = ef / s
        th0 = p0 * cnt
        th1 = p1 * cnt
        ssum = th0 + th1
        mean = th1 / ssum
        var = th1 * th0 / (ssum * ssum * (ssum + 1.0))
        bits = plsc.bitcast(var, jnp.int32)
        y = plsc.bitcast(
            jnp.full((L,), 0x5F3759DF, jnp.int32)
            - lax.shift_right_logical(bits, jnp.ones((L,), jnp.int32)),
            jnp.float32)
        half_v = 0.5 * var
        for _ in range(3):
            y = y * (1.5 - half_v * y * y)
        std = var * y

        lo = 2 * iota + 2 * g * L
        hi = lo + 1
        plsc.store_scatter(pre_v, [lo], p0)
        plsc.store_scatter(pre_v, [hi], p1)
        plsc.store_scatter(dist_v, [lo], mean)
        plsc.store_scatter(dist_v, [hi], std)
        plsc.store_scatter(theta_v, [lo], th0)
        plsc.store_scatter(theta_v, [hi], th1)

    out_w = 2 * ROWS_PER_W
    pltpu.sync_copy(pre_v, pre_hbm.at[pl.ds(wid * out_w, out_w)])
    pltpu.sync_copy(dist_v, dist_hbm.at[pl.ds(wid * out_w, out_w)])
    pltpu.sync_copy(theta_v, theta_hbm.at[pl.ds(wid * out_w, out_w)])


@jax.jit
def kernel(inputs, w):
    flat_in = inputs.reshape(-1)
    out = jax.ShapeDtypeStruct((BATCH * 2,), jnp.float32)
    run = pl.kernel(
        _sc_body,
        out_type=(out, out, out),
        mesh=plsc.VectorSubcoreMesh(core_axis_name="c", subcore_axis_name="s"),
        scratch_types=[
            pltpu.VMEM_SHARED((NUM_USERS,), jnp.float32),
            pltpu.VMEM((NUM_USERS,), jnp.float32),
            pltpu.VMEM((ROWS_PER_W * WORDS_PER_ROW,), jnp.int32),
            pltpu.VMEM((2 * ROWS_PER_W,), jnp.float32),
            pltpu.VMEM((2 * ROWS_PER_W,), jnp.float32),
            pltpu.VMEM((2 * ROWS_PER_W,), jnp.float32),
            pltpu.SemaphoreType.DMA,
            pltpu.SemaphoreType.DMA,
        ],
        compiler_params=pltpu.CompilerParams(needs_layout_passes=False),
    )
    pre, dist, theta = run(flat_in, w)
    return (pre.reshape(BATCH, 2), dist.reshape(BATCH, 2),
            theta.reshape(BATCH, 2))

# --- scband reference (transcript-rebuilt; emitter-appended) ---
"""Pipeline reference for scband-user-7206955122815 (READ-ONLY COPY).

The authoritative reference and input builder live on the scoring server;
editing this copy changes nothing except your own understanding.
"""

import jax, jax.numpy as jnp
import numpy as np

NUM_USERS = 100000
BATCH = 1024
HIST = 200

def setup_inputs(seed: int = 0) -> dict:
    key = jax.random.key(seed)
    k1, k2 = jax.random.split(key)
    inputs = jax.random.randint(k1, (BATCH, HIST, 3), 0, NUM_USERS, dtype=jnp.int32)
    w = jax.random.normal(k2, (NUM_USERS,), dtype=jnp.float32)
    return {"inputs": inputs, "w": w}

def reference(inputs, w):
    # inputs[:, :, 0] = stance (3 == PAD sentinel -> break; 0 == real; else fake)
    # inputs[:, :, 2] = user index into the learned score table w
    stance = inputs[:, :, 0]
    user_idx = inputs[:, :, 2]
    # emulate the per-line `break` on PAD: a line is processed only if no PAD appeared at or before it
    not_pad = (stance != 3)
    valid = jnp.cumprod(not_pad.astype(jnp.int32), axis=1).astype(bool)
    response_num = valid.sum(axis=1).astype(jnp.float32)
    # gather user weights (memory-bound embedding lookup over 100k-entry table)
    uw = jnp.take(w, user_idx, axis=0)
    vm = valid.astype(jnp.float32)
    real_mask = (stance == 0).astype(jnp.float32) * vm
    fake_mask = (stance != 0).astype(jnp.float32) * vm
    real_pro = (uw * real_mask).sum(axis=1)
    fake_pro = (uw * fake_mask).sum(axis=1)
    logits = jnp.stack([real_pro, fake_pro], axis=1)
    crowd = jax.nn.softmax(logits, axis=1)
    user_pre = crowd
    user_theta = crowd * response_num[:, None]
    # Beta(a=theta[1], b=theta[0]): mean and std
    a = user_theta[:, 1]
    b = user_theta[:, 0]
    s = a + b
    mean = a / s
    var = a * b / (s * s * (s + 1.0))
    std = jnp.sqrt(var)
    user_distribution = jnp.stack([mean, std], axis=1)
    return (user_pre, user_distribution, user_theta)

if __name__ == "__main__":
    import jax
    _d = setup_inputs()
    print(jax.jit(kernel)(*tuple(_d.values())))

</pallas_src>

<mosaic_0001>
#map = affine_map<(d0, d1) -> (0)>
module attributes {stable_mosaic.version = 14 : i64} {
  func.func @_sc_body(%arg0: i32, %arg1: i32, %arg2: memref<614400xi32, #tpu.memory_space<hbm>>, %arg3: memref<100000xf32, #tpu.memory_space<hbm>>, %arg4: memref<2048xf32, #tpu.memory_space<hbm>>, %arg5: memref<2048xf32, #tpu.memory_space<hbm>>, %arg6: memref<2048xf32, #tpu.memory_space<hbm>>, %arg7: memref<100000xf32, #tpu.memory_space<vmem_shared>>, %arg8: memref<100000xf32, #tpu.memory_space<vmem>>, %arg9: memref<19200xi32, #tpu.memory_space<vmem>>, %arg10: memref<64xf32, #tpu.memory_space<vmem>>, %arg11: memref<64xf32, #tpu.memory_space<vmem>>, %arg12: memref<64xf32, #tpu.memory_space<vmem>>, %arg13: memref<!tpu.dma_semaphore, #tpu.memory_space<semaphore_mem>>, %arg14: memref<!tpu.dma_semaphore, #tpu.memory_space<semaphore_mem>>) attributes {dimension_semantics = [#tpu.dimension_semantics<core_parallel>, #tpu.dimension_semantics<subcore_parallel>], iteration_bounds = array<i64: 2, 16>, scalar_prefetch = 0 : i64, scratch_operands = 8 : i64, tpu.core_type = #tpu.core_type<sc_vector_subcore>, window_params = [{transform_indices = #map}, {transform_indices = #map}, {transform_indices = #map}, {transform_indices = #map}, {transform_indices = #map}]} {
    %mul3A = arith.constant 2 : i32
    %mul3A_0 = arith.muli %arg1, %mul3A : i32
    %add3A = arith.addi %mul3A_0, %arg0 : i32
    %mul3A_1 = arith.constant 32 : i32
    %mul3A_2 = arith.muli %add3A, %mul3A_1 : i32
    %mul3A_3 = arith.constant 600 : i32
    %mul3A_4 = arith.muli %mul3A_2, %mul3A_3 : i32
    %dma_start3A = tpu.memref_slice %arg2[%mul3A_4] : memref<614400xi32, #tpu.memory_space<hbm>> -> memref<19200xi32, #tpu.memory_space<hbm>>
    %dma_start3A_5 = tpu.memref_slice %arg2[%mul3A_4] : memref<614400xi32, #tpu.memory_space<hbm>> -> memref<19200xi32, #tpu.memory_space<hbm>>
    tpu.enqueue_dma source(%dma_start3A_5 : memref<19200xi32, #tpu.memory_space<hbm>>) target(%arg9 : memref<19200xi32, #tpu.memory_space<vmem>>) target_semaphore(%arg14 : memref<!tpu.dma_semaphore, #tpu.memory_space<semaphore_mem>>)
    %eq3A = arith.constant 0 : i32
    %eq3A_6 = arith.cmpi eq, %arg1, %eq3A : i32
    %convert_element_type3A = arith.extui %eq3A_6 : i1 to i32
    %cond3A = arith.constant 0 : i32
    %cond3A_7 = arith.cmpi ne, %convert_element_type3A, %cond3A : i32
    scf.if %cond3A_7 {
      %dma_start3A_226 = arith.constant 0 : i32
      %dma_start3A_227 = tpu.memref_slice %arg8[%dma_start3A_226] : memref<100000xf32, #tpu.memory_space<vmem>> -> memref<6256xf32, #tpu.memory_space<vmem>>
      %dma_start3A_228 = arith.constant 0 : i32
      %dma_start3A_229 = tpu.memref_slice %arg3[%dma_start3A_228] : memref<100000xf32, #tpu.memory_space<hbm>> -> memref<6256xf32, #tpu.memory_space<hbm>>
      %dma_start3A_230 = arith.constant 0 : i32
      %dma_start3A_231 = tpu.memref_slice %arg8[%dma_start3A_230] : memref<100000xf32, #tpu.memory_space<vmem>> -> memref<6256xf32, #tpu.memory_space<vmem>>
      %dma_start3A_232 = arith.constant 0 : i32
      %dma_start3A_233 = tpu.memref_slice %arg3[%dma_start3A_232] : memref<100000xf32, #tpu.memory_space<hbm>> -> memref<6256xf32, #tpu.memory_space<hbm>>
      tpu.enqueue_dma source(%dma_start3A_233 : memref<6256xf32, #tpu.memory_space<hbm>>) target(%dma_start3A_231 : memref<6256xf32, #tpu.memory_space<vmem>>) target_semaphore(%arg13 : memref<!tpu.dma_semaphore, #tpu.memory_space<semaphore_mem>>)
      %dma_wait3A_234 = arith.constant 0 : i32
      %dma_wait3A_235 = tpu.memref_slice %arg8[%dma_wait3A_234] : memref<100000xf32, #tpu.memory_space<vmem>> -> memref<6256xf32, #tpu.memory_space<vmem>>
      %dma_wait3A_236 = arith.constant 0 : i32
      %dma_wait3A_237 = tpu.memref_slice %arg3[%dma_wait3A_236] : memref<100000xf32, #tpu.memory_space<hbm>> -> memref<6256xf32, #tpu.memory_space<hbm>>
      %dma_wait3A_238 = arith.constant 0 : i32
      %dma_wait3A_239 = tpu.memref_slice %arg8[%dma_wait3A_238] : memref<100000xf32, #tpu.memory_space<vmem>> -> memref<6256xf32, #tpu.memory_space<vmem>>
      %dma_wait3A_240 = arith.constant 0 : i32
      %dma_wait3A_241 = tpu.memref_slice %arg3[%dma_wait3A_240] : memref<100000xf32, #tpu.memory_space<hbm>> -> memref<6256xf32, #tpu.memory_space<hbm>>
      tpu.wait_dma2 semaphore(%arg13 : memref<!tpu.dma_semaphore, #tpu.memory_space<semaphore_mem>>) src(%dma_wait3A_241 : memref<6256xf32, #tpu.memory_space<hbm>>) dst(%dma_wait3A_239 : memref<6256xf32, #tpu.memory_space<vmem>>)
      %dma_start3A_242 = arith.constant 0 : i32
      %dma_start3A_243 = tpu.memref_slice %arg8[%dma_start3A_242] : memref<100000xf32, #tpu.memory_space<vmem>> -> memref<6256xf32, #tpu.memory_space<vmem>>
      %dma_start3A_244 = arith.constant 0 : i32
      %dma_start3A_245 = tpu.memref_slice %arg7[%dma_start3A_244] : memref<100000xf32, #tpu.memory_space<vmem_shared>> -> memref<6256xf32, #tpu.memory_space<vmem_shared>>
      %dma_start3A_246 = arith.constant 0 : i32
      %dma_start3A_247 = tpu.memref_slice %arg7[%dma_start3A_246] : memref<100000xf32, #tpu.memory_space<vmem_shared>> -> memref<6256xf32, #tpu.memory_space<vmem_shared>>
      %dma_start3A_248 = arith.constant 0 : i32
      %dma_start3A_249 = tpu.memref_slice %arg8[%dma_start3A_248] : memref<100000xf32, #tpu.memory_space<vmem>> -> memref<6256xf32, #tpu.memory_space<vmem>>
      tpu.enqueue_dma source(%dma_start3A_249 : memref<6256xf32, #tpu.memory_space<vmem>>) target(%dma_start3A_247 : memref<6256xf32, #tpu.memory_space<vmem_shared>>) target_semaphore(%arg13 : memref<!tpu.dma_semaphore, #tpu.memory_space<semaphore_mem>>)
      %dma_wait3A_250 = arith.constant 0 : i32
      %dma_wait3A_251 = tpu.memref_slice %arg8[%dma_wait3A_250] : memref<100000xf32, #tpu.memory_space<vmem>> -> memref<6256xf32, #tpu.memory_space<vmem>>
      %dma_wait3A_252 = arith.constant 0 : i32
      %dma_wait3A_253 = tpu.memref_slice %arg7[%dma_wait3A_252] : memref<100000xf32, #tpu.memory_space<vmem_shared>> -> memref<6256xf32, #tpu.memory_space<vmem_shared>>
      %dma_wait3A_254 = arith.constant 0 : i32
      %dma_wait3A_255 = tpu.memref_slice %arg7[%dma_wait3A_254] : memref<100000xf32, #tpu.memory_space<vmem_shared>> -> memref<6256xf32, #tpu.memory_space<vmem_shared>>
      %dma_wait3A_256 = arith.constant 0 : i32
      %dma_wait3A_257 = tpu.memref_slice %arg8[%dma_wait3A_256] : memref<100000xf32, #tpu.memory_space<vmem>> -> memref<6256xf32, #tpu.memory_space<vmem>>
      tpu.wait_dma2 semaphore(%arg13 : memref<!tpu.dma_semaphore, #tpu.memory_space<semaphore_mem>>) src(%dma_wait3A_257 : memref<6256xf32, #tpu.memory_space<vmem>>) dst(%dma_wait3A_255 : memref<6256xf32, #tpu.memory_space<vmem_shared>>)
    } else {
    }
    %eq3A_8 = arith.constant 1 : i32
    %eq3A_9 = arith.cmpi eq, %arg1, %eq3A_8 : i32
    %convert_element_type3A_10 = arith.extui %eq3A_9 : i1 to i32
    %cond3A_11 = arith.constant 0 : i32
    %cond3A_12 = arith.cmpi ne, %convert_element_type3A_10, %cond3A_11 : i32
    scf.if %cond3A_12 {
      %dma_start3A_226 = arith.constant 0 : i32
      %dma_start3A_227 = tpu.memref_slice %arg8[%dma_start3A_226] : memref<100000xf32, #tpu.memory_space<vmem>> -> memref<6256xf32, #tpu.memory_space<vmem>>
      %dma_start3A_228 = arith.constant 6256 : i32
      %dma_start3A_229 = tpu.memref_slice %arg3[%dma_start3A_228] : memref<100000xf32, #tpu.memory_space<hbm>> -> memref<6256xf32, #tpu.memory_space<hbm>>
      %dma_start3A_230 = arith.constant 0 : i32
      %dma_start3A_231 = tpu.memref_slice %arg8[%dma_start3A_230] : memref<100000xf32, #tpu.memory_space<vmem>> -> memref<6256xf32, #tpu.memory_space<vmem>>
      %dma_start3A_232 = arith.constant 6256 : i32
      %dma_start3A_233 = tpu.memref_slice %arg3[%dma_start3A_232] : memref<100000xf32, #tpu.memory_space<hbm>> -> memref<6256xf32, #tpu.memory_space<hbm>>
      tpu.enqueue_dma source(%dma_start3A_233 : memref<6256xf32, #tpu.memory_space<hbm>>) target(%dma_start3A_231 : memref<6256xf32, #tpu.memory_space<vmem>>) target_semaphore(%arg13 : memref<!tpu.dma_semaphore, #tpu.memory_space<semaphore_mem>>)
      %dma_wait3A_234 = arith.constant 0 : i32
      %dma_wait3A_235 = tpu.memref_slice %arg8[%dma_wait3A_234] : memref<100000xf32, #tpu.memory_space<vmem>> -> memref<6256xf32, #tpu.memory_space<vmem>>
      %dma_wait3A_236 = arith.constant 6256 : i32
      %dma_wait3A_237 = tpu.memref_slice %arg3[%dma_wait3A_236] : memref<100000xf32, #tpu.memory_space<hbm>> -> memref<6256xf32, #tpu.memory_space<hbm>>
      %dma_wait3A_238 = arith.constant 0 : i32
      %dma_wait3A_239 = tpu.memref_slice %arg8[%dma_wait3A_238] : memref<100000xf32, #tpu.memory_space<vmem>> -> memref<6256xf32, #tpu.memory_space<vmem>>
      %dma_wait3A_240 = arith.constant 6256 : i32
      %dma_wait3A_241 = tpu.memref_slice %arg3[%dma_wait3A_240] : memref<100000xf32, #tpu.memory_space<hbm>> -> memref<6256xf32, #tpu.memory_space<hbm>>
      tpu.wait_dma2 semaphore(%arg13 : memref<!tpu.dma_semaphore, #tpu.memory_space<semaphore_mem>>) src(%dma_wait3A_241 : memref<6256xf32, #tpu.memory_space<hbm>>) dst(%dma_wait3A_239 : memref<6256xf32, #tpu.memory_space<vmem>>)
      %dma_start3A_242 = arith.constant 0 : i32
      %dma_start3A_243 = tpu.memref_slice %arg8[%dma_start3A_242] : memref<100000xf32, #tpu.memory_space<vmem>> -> memref<6256xf32, #tpu.memory_space<vmem>>
      %dma_start3A_244 = arith.constant 6256 : i32
      %dma_start3A_245 = tpu.memref_slice %arg7[%dma_start3A_244] : memref<100000xf32, #tpu.memory_space<vmem_shared>> -> memref<6256xf32, #tpu.memory_space<vmem_shared>>
      %dma_start3A_246 = arith.constant 6256 : i32
      %dma_start3A_247 = tpu.memref_slice %arg7[%dma_start3A_246] : memref<100000xf32, #tpu.memory_space<vmem_shared>> -> memref<6256xf32, #tpu.memory_space<vmem_shared>>
      %dma_start3A_248 = arith.constant 0 : i32
      %dma_start3A_249 = tpu.memref_slice %arg8[%dma_start3A_248] : memref<100000xf32, #tpu.memory_space<vmem>> -> memref<6256xf32, #tpu.memory_space<vmem>>
      tpu.enqueue_dma source(%dma_start3A_249 : memref<6256xf32, #tpu.memory_space<vmem>>) target(%dma_start3A_247 : memref<6256xf32, #tpu.memory_space<vmem_shared>>) target_semaphore(%arg13 : memref<!tpu.dma_semaphore, #tpu.memory_space<semaphore_mem>>)
      %dma_wait3A_250 = arith.constant 0 : i32
      %dma_wait3A_251 = tpu.memref_slice %arg8[%dma_wait3A_250] : memref<100000xf32, #tpu.memory_space<vmem>> -> memref<6256xf32, #tpu.memory_space<vmem>>
      %dma_wait3A_252 = arith.constant 6256 : i32
      %dma_wait3A_253 = tpu.memref_slice %arg7[%dma_wait3A_252] : memref<100000xf32, #tpu.memory_space<vmem_shared>> -> memref<6256xf32, #tpu.memory_space<vmem_shared>>
      %dma_wait3A_254 = arith.constant 6256 : i32
      %dma_wait3A_255 = tpu.memref_slice %arg7[%dma_wait3A_254] : memref<100000xf32, #tpu.memory_space<vmem_shared>> -> memref<6256xf32, #tpu.memory_space<vmem_shared>>
      %dma_wait3A_256 = arith.constant 0 : i32
      %dma_wait3A_257 = tpu.memref_slice %arg8[%dma_wait3A_256] : memref<100000xf32, #tpu.memory_space<vmem>> -> memref<6256xf32, #tpu.memory_space<vmem>>
      tpu.wait_dma2 semaphore(%arg13 : memref<!tpu.dma_semaphore, #tpu.memory_space<semaphore_mem>>) src(%dma_wait3A_257 : memref<6256xf32, #tpu.memory_space<vmem>>) dst(%dma_wait3A_255 : memref<6256xf32, #tpu.memory_space<vmem_shared>>)
    } else {
    }
    %eq3A_13 = arith.constant 2 : i32
    %eq3A_14 = arith.cmpi eq, %arg1, %eq3A_13 : i32
    %convert_element_type3A_15 = arith.extui %eq3A_14 : i1 to i32
    %cond3A_16 = arith.constant 0 : i32
    %cond3A_17 = arith.cmpi ne, %convert_element_type3A_15, %cond3A_16 : i32
    scf.if %cond3A_17 {
      %dma_start3A_226 = arith.constant 0 : i32
      %dma_start3A_227 = tpu.memref_slice %arg8[%dma_start3A_226] : memref<100000xf32, #tpu.memory_space<vmem>> -> memref<6256xf32, #tpu.memory_space<vmem>>
      %dma_start3A_228 = arith.constant 12512 : i32
      %dma_start3A_229 = tpu.memref_slice %arg3[%dma_start3A_228] : memref<100000xf32, #tpu.memory_space<hbm>> -> memref<6256xf32, #tpu.memory_space<hbm>>
      %dma_start3A_230 = arith.constant 0 : i32
      %dma_start3A_231 = tpu.memref_slice %arg8[%dma_start3A_230] : memref<100000xf32, #tpu.memory_space<vmem>> -> memref<6256xf32, #tpu.memory_space<vmem>>
      %dma_start3A_232 = arith.constant 12512 : i32
      %dma_start3A_233 = tpu.memref_slice %arg3[%dma_start3A_232] : memref<100000xf32, #tpu.memory_space<hbm>> -> memref<6256xf32, #tpu.memory_space<hbm>>
      tpu.enqueue_dma source(%dma_start3A_233 : memref<6256xf32, #tpu.memory_space<hbm>>) target(%dma_start3A_231 : memref<6256xf32, #tpu.memory_space<vmem>>) target_semaphore(%arg13 : memref<!tpu.dma_semaphore, #tpu.memory_space<semaphore_mem>>)
      %dma_wait3A_234 = arith.constant 0 : i32
      %dma_wait3A_235 = tpu.memref_slice %arg8[%dma_wait3A_234] : memref<100000xf32, #tpu.memory_space<vmem>> -> memref<6256xf32, #tpu.memory_space<vmem>>
      %dma_wait3A_236 = arith.constant 12512 : i32
      %dma_wait3A_237 = tpu.memref_slice %arg3[%dma_wait3A_236] : memref<100000xf32, #tpu.memory_space<hbm>> -> memref<6256xf32, #tpu.memory_space<hbm>>
      %dma_wait3A_238 = arith.constant 0 : i32
      %dma_wait3A_239 = tpu.memref_slice %arg8[%dma_wait3A_238] : memref<100000xf32, #tpu.memory_space<vmem>> -> memref<6256xf32, #tpu.memory_space<vmem>>
      %dma_wait3A_240 = arith.constant 12512 : i32
      %dma_wait3A_241 = tpu.memref_slice %arg3[%dma_wait3A_240] : memref<100000xf32, #tpu.memory_space<hbm>> -> memref<6256xf32, #tpu.memory_space<hbm>>
      tpu.wait_dma2 semaphore(%arg13 : memref<!tpu.dma_semaphore, #tpu.memory_space<semaphore_mem>>) src(%dma_wait3A_241 : memref<6256xf32, #tpu.memory_space<hbm>>) dst(%dma_wait3A_239 : memref<6256xf32, #tpu.memory_space<vmem>>)
      %dma_start3A_242 = arith.constant 0 : i32
      %dma_start3A_243 = tpu.memref_slice %arg8[%dma_start3A_242] : memref<100000xf32, #tpu.memory_space<vmem>> -> memref<6256xf32, #tpu.memory_space<vmem>>
      %dma_start3A_244 = arith.constant 12512 : i32
      %dma_start3A_245 = tpu.memref_slice %arg7[%dma_start3A_244] : memref<100000xf32, #tpu.memory_space<vmem_shared>> -> memref<6256xf32, #tpu.memory_space<vmem_shared>>
      %dma_start3A_246 = arith.constant 12512 : i32
      %dma_start3A_247 = tpu.memref_slice %arg7[%dma_start3A_246] : memref<100000xf32, #tpu.memory_space<vmem_shared>> -> memref<6256xf32, #tpu.memory_space<vmem_shared>>
      %dma_start3A_248 = arith.constant 0 : i32
      %dma_start3A_249 = tpu.memref_slice %arg8[%dma_start3A_248] : memref<100000xf32, #tpu.memory_space<vmem>> -> memref<6256xf32, #tpu.memory_space<vmem>>
      tpu.enqueue_dma source(%dma_start3A_249 : memref<6256xf32, #tpu.memory_space<vmem>>) target(%dma_start3A_247 : memref<6256xf32, #tpu.memory_space<vmem_shared>>) target_semaphore(%arg13 : memref<!tpu.dma_semaphore, #tpu.memory_space<semaphore_mem>>)
      %dma_wait3A_250 = arith.constant 0 : i32
      %dma_wait3A_251 = tpu.memref_slice %arg8[%dma_wait3A_250] : memref<100000xf32, #tpu.memory_space<vmem>> -> memref<6256xf32, #tpu.memory_space<vmem>>
      %dma_wait3A_252 = arith.constant 12512 : i32
      %dma_wait3A_253 = tpu.memref_slice %arg7[%dma_wait3A_252] : memref<100000xf32, #tpu.memory_space<vmem_shared>> -> memref<6256xf32, #tpu.memory_space<vmem_shared>>
      %dma_wait3A_254 = arith.constant 12512 : i32
      %dma_wait3A_255 = tpu.memref_slice %arg7[%dma_wait3A_254] : memref<100000xf32, #tpu.memory_space<vmem_shared>> -> memref<6256xf32, #tpu.memory_space<vmem_shared>>
      %dma_wait3A_256 = arith.constant 0 : i32
      %dma_wait3A_257 = tpu.memref_slice %arg8[%dma_wait3A_256] : memref<100000xf32, #tpu.memory_space<vmem>> -> memref<6256xf32, #tpu.memory_space<vmem>>
      tpu.wait_dma2 semaphore(%arg13 : memref<!tpu.dma_semaphore, #tpu.memory_space<semaphore_mem>>) src(%dma_wait3A_257 : memref<6256xf32, #tpu.memory_space<vmem>>) dst(%dma_wait3A_255 : memref<6256xf32, #tpu.memory_space<vmem_shared>>)
    } else {
    }
    %eq3A_18 = arith.constant 3 : i32
    %eq3A_19 = arith.cmpi eq, %arg1, %eq3A_18 : i32
    %convert_element_type3A_20 = arith.extui %eq3A_19 : i1 to i32
    %cond3A_21 = arith.constant 0 : i32
    %cond3A_22 = arith.cmpi ne, %convert_element_type3A_20, %cond3A_21 : i32
    scf.if %cond3A_22 {
      %dma_start3A_226 = arith.constant 0 : i32
      %dma_start3A_227 = tpu.memref_slice %arg8[%dma_start3A_226] : memref<100000xf32, #tpu.memory_space<vmem>> -> memref<6256xf32, #tpu.memory_space<vmem>>
      %dma_start3A_228 = arith.constant 18768 : i32
      %dma_start3A_229 = tpu.memref_slice %arg3[%dma_start3A_228] : memref<100000xf32, #tpu.memory_space<hbm>> -> memref<6256xf32, #tpu.memory_space<hbm>>
      %dma_start3A_230 = arith.constant 0 : i32
      %dma_start3A_231 = tpu.memref_slice %arg8[%dma_start3A_230] : memref<100000xf32, #tpu.memory_space<vmem>> -> memref<6256xf32, #tpu.memory_space<vmem>>
      %dma_start3A_232 = arith.constant 18768 : i32
      %dma_start3A_233 = tpu.memref_slice %arg3[%dma_start3A_232] : memref<100000xf32, #tpu.memory_space<hbm>> -> memref<6256xf32, #tpu.memory_space<hbm>>
      tpu.enqueue_dma source(%dma_start3A_233 : memref<6256xf32, #tpu.memory_space<hbm>>) target(%dma_start3A_231 : memref<6256xf32, #tpu.memory_space<vmem>>) target_semaphore(%arg13 : memref<!tpu.dma_semaphore, #tpu.memory_space<semaphore_mem>>)
      %dma_wait3A_234 = arith.constant 0 : i32
      %dma_wait3A_235 = tpu.memref_slice %arg8[%dma_wait3A_234] : memref<100000xf32, #tpu.memory_space<vmem>> -> memref<6256xf32, #tpu.memory_space<vmem>>
      %dma_wait3A_236 = arith.constant 18768 : i32
      %dma_wait3A_237 = tpu.memref_slice %arg3[%dma_wait3A_236] : memref<100000xf32, #tpu.memory_space<hbm>> -> memref<6256xf32, #tpu.memory_space<hbm>>
      %dma_wait3A_238 = arith.constant 0 : i32
      %dma_wait3A_239 = tpu.memref_slice %arg8[%dma_wait3A_238] : memref<100000xf32, #tpu.memory_space<vmem>> -> memref<6256xf32, #tpu.memory_space<vmem>>
      %dma_wait3A_240 = arith.constant 18768 : i32
      %dma_wait3A_241 = tpu.memref_slice %arg3[%dma_wait3A_240] : memref<100000xf32, #tpu.memory_space<hbm>> -> memref<6256xf32, #tpu.memory_space<hbm>>
      tpu.wait_dma2 semaphore(%arg13 : memref<!tpu.dma_semaphore, #tpu.memory_space<semaphore_mem>>) src(%dma_wait3A_241 : memref<6256xf32, #tpu.memory_space<hbm>>) dst(%dma_wait3A_239 : memref<6256xf32, #tpu.memory_space<vmem>>)
      %dma_start3A_242 = arith.constant 0 : i32
      %dma_start3A_243 = tpu.memref_slice %arg8[%dma_start3A_242] : memref<100000xf32, #tpu.memory_space<vmem>> -> memref<6256xf32, #tpu.memory_space<vmem>>
      %dma_start3A_244 = arith.constant 18768 : i32
      %dma_start3A_245 = tpu.memref_slice %arg7[%dma_start3A_244] : memref<100000xf32, #tpu.memory_space<vmem_shared>> -> memref<6256xf32, #tpu.memory_space<vmem_shared>>
      %dma_start3A_246 = arith.constant 18768 : i32
      %dma_start3A_247 = tpu.memref_slice %arg7[%dma_start3A_246] : memref<100000xf32, #tpu.memory_space<vmem_shared>> -> memref<6256xf32, #tpu.memory_space<vmem_shared>>
      %dma_start3A_248 = arith.constant 0 : i32
      %dma_start3A_249 = tpu.memref_slice %arg8[%dma_start3A_248] : memref<100000xf32, #tpu.memory_space<vmem>> -> memref<6256xf32, #tpu.memory_space<vmem>>
      tpu.enqueue_dma source(%dma_start3A_249 : memref<6256xf32, #tpu.memory_space<vmem>>) target(%dma_start3A_247 : memref<6256xf32, #tpu.memory_space<vmem_shared>>) target_semaphore(%arg13 : memref<!tpu.dma_semaphore, #tpu.memory_space<semaphore_mem>>)
      %dma_wait3A_250 = arith.constant 0 : i32
      %dma_wait3A_251 = tpu.memref_slice %arg8[%dma_wait3A_250] : memref<100000xf32, #tpu.memory_space<vmem>> -> memref<6256xf32, #tpu.memory_space<vmem>>
      %dma_wait3A_252 = arith.constant 18768 : i32
      %dma_wait3A_253 = tpu.memref_slice %arg7[%dma_wait3A_252] : memref<100000xf32, #tpu.memory_space<vmem_shared>> -> memref<6256xf32, #tpu.memory_space<vmem_shared>>
      %dma_wait3A_254 = arith.constant 18768 : i32
      %dma_wait3A_255 = tpu.memref_slice %arg7[%dma_wait3A_254] : memref<100000xf32, #tpu.memory_space<vmem_shared>> -> memref<6256xf32, #tpu.memory_space<vmem_shared>>
      %dma_wait3A_256 = arith.constant 0 : i32
      %dma_wait3A_257 = tpu.memref_slice %arg8[%dma_wait3A_256] : memref<100000xf32, #tpu.memory_space<vmem>> -> memref<6256xf32, #tpu.memory_space<vmem>>
      tpu.wait_dma2 semaphore(%arg13 : memref<!tpu.dma_semaphore, #tpu.memory_space<semaphore_mem>>) src(%dma_wait3A_257 : memref<6256xf32, #tpu.memory_space<vmem>>) dst(%dma_wait3A_255 : memref<6256xf32, #tpu.memory_space<vmem_shared>>)
    } else {
    }
    %eq3A_23 = arith.constant 4 : i32
    %eq3A_24 = arith.cmpi eq, %arg1, %eq3A_23 : i32
    %convert_element_type3A_25 = arith.extui %eq3A_24 : i1 to i32
    %cond3A_26 = arith.constant 0 : i32
    %cond3A_27 = arith.cmpi ne, %convert_element_type3A_25, %cond3A_26 : i32
    scf.if %cond3A_27 {
      %dma_start3A_226 = arith.constant 0 : i32
      %dma_start3A_227 = tpu.memref_slice %arg8[%dma_start3A_226] : memref<100000xf32, #tpu.memory_space<vmem>> -> memref<6256xf32, #tpu.memory_space<vmem>>
      %dma_start3A_228 = arith.constant 25024 : i32
      %dma_start3A_229 = tpu.memref_slice %arg3[%dma_start3A_228] : memref<100000xf32, #tpu.memory_space<hbm>> -> memref<6256xf32, #tpu.memory_space<hbm>>
      %dma_start3A_230 = arith.constant 0 : i32
      %dma_start3A_231 = tpu.memref_slice %arg8[%dma_start3A_230] : memref<100000xf32, #tpu.memory_space<vmem>> -> memref<6256xf32, #tpu.memory_space<vmem>>
      %dma_start3A_232 = arith.constant 25024 : i32
      %dma_start3A_233 = tpu.memref_slice %arg3[%dma_start3A_232] : memref<100000xf32, #tpu.memory_space<hbm>> -> memref<6256xf32, #tpu.memory_space<hbm>>
      tpu.enqueue_dma source(%dma_start3A_233 : memref<6256xf32, #tpu.memory_space<hbm>>) target(%dma_start3A_231 : memref<6256xf32, #tpu.memory_space<vmem>>) target_semaphore(%arg13 : memref<!tpu.dma_semaphore, #tpu.memory_space<semaphore_mem>>)
      %dma_wait3A_234 = arith.constant 0 : i32
      %dma_wait3A_235 = tpu.memref_slice %arg8[%dma_wait3A_234] : memref<100000xf32, #tpu.memory_space<vmem>> -> memref<6256xf32, #tpu.memory_space<vmem>>
      %dma_wait3A_236 = arith.constant 25024 : i32
      %dma_wait3A_237 = tpu.memref_slice %arg3[%dma_wait3A_236] : memref<100000xf32, #tpu.memory_space<hbm>> -> memref<6256xf32, #tpu.memory_space<hbm>>
      %dma_wait3A_238 = arith.constant 0 : i32
      %dma_wait3A_239 = tpu.memref_slice %arg8[%dma_wait3A_238] : memref<100000xf32, #tpu.memory_space<vmem>> -> memref<6256xf32, #tpu.memory_space<vmem>>
      %dma_wait3A_240 = arith.constant 25024 : i32
      %dma_wait3A_241 = tpu.memref_slice %arg3[%dma_wait3A_240] : memref<100000xf32, #tpu.memory_space<hbm>> -> memref<6256xf32, #tpu.memory_space<hbm>>
      tpu.wait_dma2 semaphore(%arg13 : memref<!tpu.dma_semaphore, #tpu.memory_space<semaphore_mem>>) src(%dma_wait3A_241 : memref<6256xf32, #tpu.memory_space<hbm>>) dst(%dma_wait3A_239 : memref<6256xf32, #tpu.memory_space<vmem>>)
      %dma_start3A_242 = arith.constant 0 : i32
      %dma_start3A_243 = tpu.memref_slice %arg8[%dma_start3A_242] : memref<100000xf32, #tpu.memory_space<vmem>> -> memref<6256xf32, #tpu.memory_space<vmem>>
      %dma_start3A_244 = arith.constant 25024 : i32
      %dma_start3A_245 = tpu.memref_slice %arg7[%dma_start3A_244] : memref<100000xf32, #tpu.memory_space<vmem_shared>> -> memref<6256xf32, #tpu.memory_space<vmem_shared>>
      %dma_start3A_246 = arith.constant 25024 : i32
      %dma_start3A_247 = tpu.memref_slice %arg7[%dma_start3A_246] : memref<100000xf32, #tpu.memory_space<vmem_shared>> -> memref<6256xf32, #tpu.memory_space<vmem_shared>>
      %dma_start3A_248 = arith.constant 0 : i32
      %dma_start3A_249 = tpu.memref_slice %arg8[%dma_start3A_248] : memref<100000xf32, #tpu.memory_space<vmem>> -> memref<6256xf32, #tpu.memory_space<vmem>>
      tpu.enqueue_dma source(%dma_start3A_249 : memref<6256xf32, #tpu.memory_space<vmem>>) target(%dma_start3A_247 : memref<6256xf32, #tpu.memory_space<vmem_shared>>) target_semaphore(%arg13 : memref<!tpu.dma_semaphore, #tpu.memory_space<semaphore_mem>>)
      %dma_wait3A_250 = arith.constant 0 : i32
      %dma_wait3A_251 = tpu.memref_slice %arg8[%dma_wait3A_250] : memref<100000xf32, #tpu.memory_space<vmem>> -> memref<6256xf32, #tpu.memory_space<vmem>>
      %dma_wait3A_252 = arith.constant 25024 : i32
      %dma_wait3A_253 = tpu.memref_slice %arg7[%dma_wait3A_252] : memref<100000xf32, #tpu.memory_space<vmem_shared>> -> memref<6256xf32, #tpu.memory_space<vmem_shared>>
      %dma_wait3A_254 = arith.constant 25024 : i32
      %dma_wait3A_255 = tpu.memref_slice %arg7[%dma_wait3A_254] : memref<100000xf32, #tpu.memory_space<vmem_shared>> -> memref<6256xf32, #tpu.memory_space<vmem_shared>>
      %dma_wait3A_256 = arith.constant 0 : i32
      %dma_wait3A_257 = tpu.memref_slice %arg8[%dma_wait3A_256] : memref<100000xf32, #tpu.memory_space<vmem>> -> memref<6256xf32, #tpu.memory_space<vmem>>
      tpu.wait_dma2 semaphore(%arg13 : memref<!tpu.dma_semaphore, #tpu.memory_space<semaphore_mem>>) src(%dma_wait3A_257 : memref<6256xf32, #tpu.memory_space<vmem>>) dst(%dma_wait3A_255 : memref<6256xf32, #tpu.memory_space<vmem_shared>>)
    } else {
    }
    %eq3A_28 = arith.constant 5 : i32
    %eq3A_29 = arith.cmpi eq, %arg1, %eq3A_28 : i32
    %convert_element_type3A_30 = arith.extui %eq3A_29 : i1 to i32
    %cond3A_31 = arith.constant 0 : i32
    %cond3A_32 = arith.cmpi ne, %convert_element_type3A_30, %cond3A_31 : i32
    scf.if %cond3A_32 {
      %dma_start3A_226 = arith.constant 0 : i32
      %dma_start3A_227 = tpu.memref_slice %arg8[%dma_start3A_226] : memref<100000xf32, #tpu.memory_space<vmem>> -> memref<6256xf32, #tpu.memory_space<vmem>>
      %dma_start3A_228 = arith.constant 31280 : i32
      %dma_start3A_229 = tpu.memref_slice %arg3[%dma_start3A_228] : memref<100000xf32, #tpu.memory_space<hbm>> -> memref<6256xf32, #tpu.memory_space<hbm>>
      %dma_start3A_230 = arith.constant 0 : i32
      %dma_start3A_231 = tpu.memref_slice %arg8[%dma_start3A_230] : memref<100000xf32, #tpu.memory_space<vmem>> -> memref<6256xf32, #tpu.memory_space<vmem>>
      %dma_start3A_232 = arith.constant 31280 : i32
      %dma_start3A_233 = tpu.memref_slice %arg3[%dma_start3A_232] : memref<100000xf32, #tpu.memory_space<hbm>> -> memref<6256xf32, #tpu.memory_space<hbm>>
      tpu.enqueue_dma source(%dma_start3A_233 : memref<6256xf32, #tpu.memory_space<hbm>>) target(%dma_start3A_231 : memref<6256xf32, #tpu.memory_space<vmem>>) target_semaphore(%arg13 : memref<!tpu.dma_semaphore, #tpu.memory_space<semaphore_mem>>)
      %dma_wait3A_234 = arith.constant 0 : i32
      %dma_wait3A_235 = tpu.memref_slice %arg8[%dma_wait3A_234] : memref<100000xf32, #tpu.memory_space<vmem>> -> memref<6256xf32, #tpu.memory_space<vmem>>
      %dma_wait3A_236 = arith.constant 31280 : i32
      %dma_wait3A_237 = tpu.memref_slice %arg3[%dma_wait3A_236] : memref<100000xf32, #tpu.memory_space<hbm>> -> memref<6256xf32, #tpu.memory_space<hbm>>
      %dma_wait3A_238 = arith.constant 0 : i32
      %dma_wait3A_239 = tpu.memref_slice %arg8[%dma_wait3A_238] : memref<100000xf32, #tpu.memory_space<vmem>> -> memref<6256xf32, #tpu.memory_space<vmem>>
      %dma_wait3A_240 = arith.constant 31280 : i32
      %dma_wait3A_241 = tpu.memref_slice %arg3[%dma_wait3A_240] : memref<100000xf32, #tpu.memory_space<hbm>> -> memref<6256xf32, #tpu.memory_space<hbm>>
      tpu.wait_dma2 semaphore(%arg13 : memref<!tpu.dma_semaphore, #tpu.memory_space<semaphore_mem>>) src(%dma_wait3A_241 : memref<6256xf32, #tpu.memory_space<hbm>>) dst(%dma_wait3A_239 : memref<6256xf32, #tpu.memory_space<vmem>>)
      %dma_start3A_242 = arith.constant 0 : i32
      %dma_start3A_243 = tpu.memref_slice %arg8[%dma_start3A_242] : memref<100000xf32, #tpu.memory_space<vmem>> -> memref<6256xf32, #tpu.memory_space<vmem>>
      %dma_start3A_244 = arith.constant 31280 : i32
      %dma_start3A_245 = tpu.memref_slice %arg7[%dma_start3A_244] : memref<100000xf32, #tpu.memory_space<vmem_shared>> -> memref<6256xf32, #tpu.memory_space<vmem_shared>>
      %dma_start3A_246 = arith.constant 31280 : i32
      %dma_start3A_247 = tpu.memref_slice %arg7[%dma_start3A_246] : memref<100000xf32, #tpu.memory_space<vmem_shared>> -> memref<6256xf32, #tpu.memory_space<vmem_shared>>
      %dma_start3A_248 = arith.constant 0 : i32
      %dma_start3A_249 = tpu.memref_slice %arg8[%dma_start3A_248] : memref<100000xf32, #tpu.memory_space<vmem>> -> memref<6256xf32, #tpu.memory_space<vmem>>
      tpu.enqueue_dma source(%dma_start3A_249 : memref<6256xf32, #tpu.memory_space<vmem>>) target(%dma_start3A_247 : memref<6256xf32, #tpu.memory_space<vmem_shared>>) target_semaphore(%arg13 : memref<!tpu.dma_semaphore, #tpu.memory_space<semaphore_mem>>)
      %dma_wait3A_250 = arith.constant 0 : i32
      %dma_wait3A_251 = tpu.memref_slice %arg8[%dma_wait3A_250] : memref<100000xf32, #tpu.memory_space<vmem>> -> memref<6256xf32, #tpu.memory_space<vmem>>
      %dma_wait3A_252 = arith.constant 31280 : i32
      %dma_wait3A_253 = tpu.memref_slice %arg7[%dma_wait3A_252] : memref<100000xf32, #tpu.memory_space<vmem_shared>> -> memref<6256xf32, #tpu.memory_space<vmem_shared>>
      %dma_wait3A_254 = arith.constant 31280 : i32
      %dma_wait3A_255 = tpu.memref_slice %arg7[%dma_wait3A_254] : memref<100000xf32, #tpu.memory_space<vmem_shared>> -> memref<6256xf32, #tpu.memory_space<vmem_shared>>
      %dma_wait3A_256 = arith.constant 0 : i32
      %dma_wait3A_257 = tpu.memref_slice %arg8[%dma_wait3A_256] : memref<100000xf32, #tpu.memory_space<vmem>> -> memref<6256xf32, #tpu.memory_space<vmem>>
      tpu.wait_dma2 semaphore(%arg13 : memref<!tpu.dma_semaphore, #tpu.memory_space<semaphore_mem>>) src(%dma_wait3A_257 : memref<6256xf32, #tpu.memory_space<vmem>>) dst(%dma_wait3A_255 : memref<6256xf32, #tpu.memory_space<vmem_shared>>)
    } else {
    }
    %eq3A_33 = arith.constant 6 : i32
    %eq3A_34 = arith.cmpi eq, %arg1, %eq3A_33 : i32
    %convert_element_type3A_35 = arith.extui %eq3A_34 : i1 to i32
    %cond3A_36 = arith.constant 0 : i32
    %cond3A_37 = arith.cmpi ne, %convert_element_type3A_35, %cond3A_36 : i32
    scf.if %cond3A_37 {
      %dma_start3A_226 = arith.constant 0 : i32
      %dma_start3A_227 = tpu.memref_slice %arg8[%dma_start3A_226] : memref<100000xf32, #tpu.memory_space<vmem>> -> memref<6256xf32, #tpu.memory_space<vmem>>
      %dma_start3A_228 = arith.constant 37536 : i32
      %dma_start3A_229 = tpu.memref_slice %arg3[%dma_start3A_228] : memref<100000xf32, #tpu.memory_space<hbm>> -> memref<6256xf32, #tpu.memory_space<hbm>>
      %dma_start3A_230 = arith.constant 0 : i32
      %dma_start3A_231 = tpu.memref_slice %arg8[%dma_start3A_230] : memref<100000xf32, #tpu.memory_space<vmem>> -> memref<6256xf32, #tpu.memory_space<vmem>>
      %dma_start3A_232 = arith.constant 37536 : i32
      %dma_start3A_233 = tpu.memref_slice %arg3[%dma_start3A_232] : memref<100000xf32, #tpu.memory_space<hbm>> -> memref<6256xf32, #tpu.memory_space<hbm>>
      tpu.enqueue_dma source(%dma_start3A_233 : memref<6256xf32, #tpu.memory_space<hbm>>) target(%dma_start3A_231 : memref<6256xf32, #tpu.memory_space<vmem>>) target_semaphore(%arg13 : memref<!tpu.dma_semaphore, #tpu.memory_space<semaphore_mem>>)
      %dma_wait3A_234 = arith.constant 0 : i32
      %dma_wait3A_235 = tpu.memref_slice %arg8[%dma_wait3A_234] : memref<100000xf32, #tpu.memory_space<vmem>> -> memref<6256xf32, #tpu.memory_space<vmem>>
      %dma_wait3A_236 = arith.constant 37536 : i32
      %dma_wait3A_237 = tpu.memref_slice %arg3[%dma_wait3A_236] : memref<100000xf32, #tpu.memory_space<hbm>> -> memref<6256xf32, #tpu.memory_space<hbm>>
      %dma_wait3A_238 = arith.constant 0 : i32
      %dma_wait3A_239 = tpu.memref_slice %arg8[%dma_wait3A_238] : memref<100000xf32, #tpu.memory_space<vmem>> -> memref<6256xf32, #tpu.memory_space<vmem>>
      %dma_wait3A_240 = arith.constant 37536 : i32
      %dma_wait3A_241 = tpu.memref_slice %arg3[%dma_wait3A_240] : memref<100000xf32, #tpu.memory_space<hbm>> -> memref<6256xf32, #tpu.memory_space<hbm>>
      tpu.wait_dma2 semaphore(%arg13 : memref<!tpu.dma_semaphore, #tpu.memory_space<semaphore_mem>>) src(%dma_wait3A_241 : memref<6256xf32, #tpu.memory_space<hbm>>) dst(%dma_wait3A_239 : memref<6256xf32, #tpu.memory_space<vmem>>)
      %dma_start3A_242 = arith.constant 0 : i32
      %dma_start3A_243 = tpu.memref_slice %arg8[%dma_start3A_242] : memref<100000xf32, #tpu.memory_space<vmem>> -> memref<6256xf32, #tpu.memory_space<vmem>>
      %dma_start3A_244 = arith.constant 37536 : i32
      %dma_start3A_245 = tpu.memref_slice %arg7[%dma_start3A_244] : memref<100000xf32, #tpu.memory_space<vmem_shared>> -> memref<6256xf32, #tpu.memory_space<vmem_shared>>
      %dma_start3A_246 = arith.constant 37536 : i32
      %dma_start3A_247 = tpu.memref_slice %arg7[%dma_start3A_246] : memref<100000xf32, #tpu.memory_space<vmem_shared>> -> memref<6256xf32, #tpu.memory_space<vmem_shared>>
      %dma_start3A_248 = arith.constant 0 : i32
      %dma_start3A_249 = tpu.memref_slice %arg8[%dma_start3A_248] : memref<100000xf32, #tpu.memory_space<vmem>> -> memref<6256xf32, #tpu.memory_space<vmem>>
      tpu.enqueue_dma source(%dma_start3A_249 : memref<6256xf32, #tpu.memory_space<vmem>>) target(%dma_start3A_247 : memref<6256xf32, #tpu.memory_space<vmem_shared>>) target_semaphore(%arg13 : memref<!tpu.dma_semaphore, #tpu.memory_space<semaphore_mem>>)
      %dma_wait3A_250 = arith.constant 0 : i32
      %dma_wait3A_251 = tpu.memref_slice %arg8[%dma_wait3A_250] : memref<100000xf32, #tpu.memory_space<vmem>> -> memref<6256xf32, #tpu.memory_space<vmem>>
      %dma_wait3A_252 = arith.constant 37536 : i32
      %dma_wait3A_253 = tpu.memref_slice %arg7[%dma_wait3A_252] : memref<100000xf32, #tpu.memory_space<vmem_shared>> -> memref<6256xf32, #tpu.memory_space<vmem_shared>>
      %dma_wait3A_254 = arith.constant 37536 : i32
      %dma_wait3A_255 = tpu.memref_slice %arg7[%dma_wait3A_254] : memref<100000xf32, #tpu.memory_space<vmem_shared>> -> memref<6256xf32, #tpu.memory_space<vmem_shared>>
      %dma_wait3A_256 = arith.constant 0 : i32
      %dma_wait3A_257 = tpu.memref_slice %arg8[%dma_wait3A_256] : memref<100000xf32, #tpu.memory_space<vmem>> -> memref<6256xf32, #tpu.memory_space<vmem>>
      tpu.wait_dma2 semaphore(%arg13 : memref<!tpu.dma_semaphore, #tpu.memory_space<semaphore_mem>>) src(%dma_wait3A_257 : memref<6256xf32, #tpu.memory_space<vmem>>) dst(%dma_wait3A_255 : memref<6256xf32, #tpu.memory_space<vmem_shared>>)
    } else {
    }
    %eq3A_38 = arith.constant 7 : i32
    %eq3A_39 = arith.cmpi eq, %arg1, %eq3A_38 : i32
    %convert_element_type3A_40 = arith.extui %eq3A_39 : i1 to i32
    %cond3A_41 = arith.constant 0 : i32
    %cond3A_42 = arith.cmpi ne, %convert_element_type3A_40, %cond3A_41 : i32
    scf.if %cond3A_42 {
      %dma_start3A_226 = arith.constant 0 : i32
      %dma_start3A_227 = tpu.memref_slice %arg8[%dma_start3A_226] : memref<100000xf32, #tpu.memory_space<vmem>> -> memref<6256xf32, #tpu.memory_space<vmem>>
      %dma_start3A_228 = arith.constant 43792 : i32
      %dma_start3A_229 = tpu.memref_slice %arg3[%dma_start3A_228] : memref<100000xf32, #tpu.memory_space<hbm>> -> memref<6256xf32, #tpu.memory_space<hbm>>
      %dma_start3A_230 = arith.constant 0 : i32
      %dma_start3A_231 = tpu.memref_slice %arg8[%dma_start3A_230] : memref<100000xf32, #tpu.memory_space<vmem>> -> memref<6256xf32, #tpu.memory_space<vmem>>
      %dma_start3A_232 = arith.constant 43792 : i32
      %dma_start3A_233 = tpu.memref_slice %arg3[%dma_start3A_232] : memref<100000xf32, #tpu.memory_space<hbm>> -> memref<6256xf32, #tpu.memory_space<hbm>>
      tpu.enqueue_dma source(%dma_start3A_233 : memref<6256xf32, #tpu.memory_space<hbm>>) target(%dma_start3A_231 : memref<6256xf32, #tpu.memory_space<vmem>>) target_semaphore(%arg13 : memref<!tpu.dma_semaphore, #tpu.memory_space<semaphore_mem>>)
      %dma_wait3A_234 = arith.constant 0 : i32
      %dma_wait3A_235 = tpu.memref_slice %arg8[%dma_wait3A_234] : memref<100000xf32, #tpu.memory_space<vmem>> -> memref<6256xf32, #tpu.memory_space<vmem>>
      %dma_wait3A_236 = arith.constant 43792 : i32
      %dma_wait3A_237 = tpu.memref_slice %arg3[%dma_wait3A_236] : memref<100000xf32, #tpu.memory_space<hbm>> -> memref<6256xf32, #tpu.memory_space<hbm>>
      %dma_wait3A_238 = arith.constant 0 : i32
      %dma_wait3A_239 = tpu.memref_slice %arg8[%dma_wait3A_238] : memref<100000xf32, #tpu.memory_space<vmem>> -> memref<6256xf32, #tpu.memory_space<vmem>>
      %dma_wait3A_240 = arith.constant 43792 : i32
      %dma_wait3A_241 = tpu.memref_slice %arg3[%dma_wait3A_240] : memref<100000xf32, #tpu.memory_space<hbm>> -> memref<6256xf32, #tpu.memory_space<hbm>>
      tpu.wait_dma2 semaphore(%arg13 : memref<!tpu.dma_semaphore, #tpu.memory_space<semaphore_mem>>) src(%dma_wait3A_241 : memref<6256xf32, #tpu.memory_space<hbm>>) dst(%dma_wait3A_239 : memref<6256xf32, #tpu.memory_space<vmem>>)
      %dma_start3A_242 = arith.constant 0 : i32
      %dma_start3A_243 = tpu.memref_slice %arg8[%dma_start3A_242] : memref<100000xf32, #tpu.memory_space<vmem>> -> memref<6256xf32, #tpu.memory_space<vmem>>
      %dma_start3A_244 = arith.constant 43792 : i32
      %dma_start3A_245 = tpu.memref_slice %arg7[%dma_start3A_244] : memref<100000xf32, #tpu.memory_space<vmem_shared>> -> memref<6256xf32, #tpu.memory_space<vmem_shared>>
      %dma_start3A_246 = arith.constant 43792 : i32
      %dma_start3A_247 = tpu.memref_slice %arg7[%dma_start3A_246] : memref<100000xf32, #tpu.memory_space<vmem_shared>> -> memref<6256xf32, #tpu.memory_space<vmem_shared>>
      %dma_start3A_248 = arith.constant 0 : i32
      %dma_start3A_249 = tpu.memref_slice %arg8[%dma_start3A_248] : memref<100000xf32, #tpu.memory_space<vmem>> -> memref<6256xf32, #tpu.memory_space<vmem>>
      tpu.enqueue_dma source(%dma_start3A_249 : memref<6256xf32, #tpu.memory_space<vmem>>) target(%dma_start3A_247 : memref<6256xf32, #tpu.memory_space<vmem_shared>>) target_semaphore(%arg13 : memref<!tpu.dma_semaphore, #tpu.memory_space<semaphore_mem>>)
      %dma_wait3A_250 = arith.constant 0 : i32
      %dma_wait3A_251 = tpu.memref_slice %arg8[%dma_wait3A_250] : memref<100000xf32, #tpu.memory_space<vmem>> -> memref<6256xf32, #tpu.memory_space<vmem>>
      %dma_wait3A_252 = arith.constant 43792 : i32
      %dma_wait3A_253 = tpu.memref_slice %arg7[%dma_wait3A_252] : memref<100000xf32, #tpu.memory_space<vmem_shared>> -> memref<6256xf32, #tpu.memory_space<vmem_shared>>
      %dma_wait3A_254 = arith.constant 43792 : i32
      %dma_wait3A_255 = tpu.memref_slice %arg7[%dma_wait3A_254] : memref<100000xf32, #tpu.memory_space<vmem_shared>> -> memref<6256xf32, #tpu.memory_space<vmem_shared>>
      %dma_wait3A_256 = arith.constant 0 : i32
      %dma_wait3A_257 = tpu.memref_slice %arg8[%dma_wait3A_256] : memref<100000xf32, #tpu.memory_space<vmem>> -> memref<6256xf32, #tpu.memory_space<vmem>>
      tpu.wait_dma2 semaphore(%arg13 : memref<!tpu.dma_semaphore, #tpu.memory_space<semaphore_mem>>) src(%dma_wait3A_257 : memref<6256xf32, #tpu.memory_space<vmem>>) dst(%dma_wait3A_255 : memref<6256xf32, #tpu.memory_space<vmem_shared>>)
    } else {
    }
    %eq3A_43 = arith.constant 8 : i32
    %eq3A_44 = arith.cmpi eq, %arg1, %eq3A_43 : i32
    %convert_element_type3A_45 = arith.extui %eq3A_44 : i1 to i32
    %cond3A_46 = arith.constant 0 : i32
    %cond3A_47 = arith.cmpi ne, %convert_element_type3A_45, %cond3A_46 : i32
    scf.if %cond3A_47 {
      %dma_start3A_226 = arith.constant 0 : i32
      %dma_start3A_227 = tpu.memref_slice %arg8[%dma_start3A_226] : memref<100000xf32, #tpu.memory_space<vmem>> -> memref<6256xf32, #tpu.memory_space<vmem>>
      %dma_start3A_228 = arith.constant 50048 : i32
      %dma_start3A_229 = tpu.memref_slice %arg3[%dma_start3A_228] : memref<100000xf32, #tpu.memory_space<hbm>> -> memref<6256xf32, #tpu.memory_space<hbm>>
      %dma_start3A_230 = arith.constant 0 : i32
      %dma_start3A_231 = tpu.memref_slice %arg8[%dma_start3A_230] : memref<100000xf32, #tpu.memory_space<vmem>> -> memref<6256xf32, #tpu.memory_space<vmem>>
      %dma_start3A_232 = arith.constant 50048 : i32
      %dma_start3A_233 = tpu.memref_slice %arg3[%dma_start3A_232] : memref<100000xf32, #tpu.memory_space<hbm>> -> memref<6256xf32, #tpu.memory_space<hbm>>
      tpu.enqueue_dma source(%dma_start3A_233 : memref<6256xf32, #tpu.memory_space<hbm>>) target(%dma_start3A_231 : memref<6256xf32, #tpu.memory_space<vmem>>) target_semaphore(%arg13 : memref<!tpu.dma_semaphore, #tpu.memory_space<semaphore_mem>>)
      %dma_wait3A_234 = arith.constant 0 : i32
      %dma_wait3A_235 = tpu.memref_slice %arg8[%dma_wait3A_234] : memref<100000xf32, #tpu.memory_space<vmem>> -> memref<6256xf32, #tpu.memory_space<vmem>>
      %dma_wait3A_236 = arith.constant 50048 : i32
      %dma_wait3A_237 = tpu.memref_slice %arg3[%dma_wait3A_236] : memref<100000xf32, #tpu.memory_space<hbm>> -> memref<6256xf32, #tpu.memory_space<hbm>>
      %dma_wait3A_238 = arith.constant 0 : i32
      %dma_wait3A_239 = tpu.memref_slice %arg8[%dma_wait3A_238] : memref<100000xf32, #tpu.memory_space<vmem>> -> memref<6256xf32, #tpu.memory_space<vmem>>
      %dma_wait3A_240 = arith.constant 50048 : i32
      %dma_wait3A_241 = tpu.memref_slice %arg3[%dma_wait3A_240] : memref<100000xf32, #tpu.memory_space<hbm>> -> memref<6256xf32, #tpu.memory_space<hbm>>
      tpu.wait_dma2 semaphore(%arg13 : memref<!tpu.dma_semaphore, #tpu.memory_space<semaphore_mem>>) src(%dma_wait3A_241 : memref<6256xf32, #tpu.memory_space<hbm>>) dst(%dma_wait3A_239 : memref<6256xf32, #tpu.memory_space<vmem>>)
      %dma_start3A_242 = arith.constant 0 : i32
      %dma_start3A_243 = tpu.memref_slice %arg8[%dma_start3A_242] : memref<100000xf32, #tpu.memory_space<vmem>> -> memref<6256xf32, #tpu.memory_space<vmem>>
      %dma_start3A_244 = arith.constant 50048 : i32
      %dma_start3A_245 = tpu.memref_slice %arg7[%dma_start3A_244] : memref<100000xf32, #tpu.memory_space<vmem_shared>> -> memref<6256xf32, #tpu.memory_space<vmem_shared>>
      %dma_start3A_246 = arith.constant 50048 : i32
      %dma_start3A_247 = tpu.memref_slice %arg7[%dma_start3A_246] : memref<100000xf32, #tpu.memory_space<vmem_shared>> -> memref<6256xf32, #tpu.memory_space<vmem_shared>>
      %dma_start3A_248 = arith.constant 0 : i32
      %dma_start3A_249 = tpu.memref_slice %arg8[%dma_start3A_248] : memref<100000xf32, #tpu.memory_space<vmem>> -> memref<6256xf32, #tpu.memory_space<vmem>>
      tpu.enqueue_dma source(%dma_start3A_249 : memref<6256xf32, #tpu.memory_space<vmem>>) target(%dma_start3A_247 : memref<6256xf32, #tpu.memory_space<vmem_shared>>) target_semaphore(%arg13 : memref<!tpu.dma_semaphore, #tpu.memory_space<semaphore_mem>>)
      %dma_wait3A_250 = arith.constant 0 : i32
      %dma_wait3A_251 = tpu.memref_slice %arg8[%dma_wait3A_250] : memref<100000xf32, #tpu.memory_space<vmem>> -> memref<6256xf32, #tpu.memory_space<vmem>>
      %dma_wait3A_252 = arith.constant 50048 : i32
      %dma_wait3A_253 = tpu.memref_slice %arg7[%dma_wait3A_252] : memref<100000xf32, #tpu.memory_space<vmem_shared>> -> memref<6256xf32, #tpu.memory_space<vmem_shared>>
      %dma_wait3A_254 = arith.constant 50048 : i32
      %dma_wait3A_255 = tpu.memref_slice %arg7[%dma_wait3A_254] : memref<100000xf32, #tpu.memory_space<vmem_shared>> -> memref<6256xf32, #tpu.memory_space<vmem_shared>>
      %dma_wait3A_256 = arith.constant 0 : i32
      %dma_wait3A_257 = tpu.memref_slice %arg8[%dma_wait3A_256] : memref<100000xf32, #tpu.memory_space<vmem>> -> memref<6256xf32, #tpu.memory_space<vmem>>
      tpu.wait_dma2 semaphore(%arg13 : memref<!tpu.dma_semaphore, #tpu.memory_space<semaphore_mem>>) src(%dma_wait3A_257 : memref<6256xf32, #tpu.memory_space<vmem>>) dst(%dma_wait3A_255 : memref<6256xf32, #tpu.memory_space<vmem_shared>>)
    } else {
    }
    %eq3A_48 = arith.constant 9 : i32
    %eq3A_49 = arith.cmpi eq, %arg1, %eq3A_48 : i32
    %convert_element_type3A_50 = arith.extui %eq3A_49 : i1 to i32
    %cond3A_51 = arith.constant 0 : i32
    %cond3A_52 = arith.cmpi ne, %convert_element_type3A_50, %cond3A_51 : i32
    scf.if %cond3A_52 {
      %dma_start3A_226 = arith.constant 0 : i32
      %dma_start3A_227 = tpu.memref_slice %arg8[%dma_start3A_226] : memref<100000xf32, #tpu.memory_space<vmem>> -> memref<6256xf32, #tpu.memory_space<vmem>>
      %dma_start3A_228 = arith.constant 56304 : i32
      %dma_start3A_229 = tpu.memref_slice %arg3[%dma_start3A_228] : memref<100000xf32, #tpu.memory_space<hbm>> -> memref<6256xf32, #tpu.memory_space<hbm>>
      %dma_start3A_230 = arith.constant 0 : i32
      %dma_start3A_231 = tpu.memref_slice %arg8[%dma_start3A_230] : memref<100000xf32, #tpu.memory_space<vmem>> -> memref<6256xf32, #tpu.memory_space<vmem>>
      %dma_start3A_232 = arith.constant 56304 : i32
      %dma_start3A_233 = tpu.memref_slice %arg3[%dma_start3A_232] : memref<100000xf32, #tpu.memory_space<hbm>> -> memref<6256xf32, #tpu.memory_space<hbm>>
      tpu.enqueue_dma source(%dma_start3A_233 : memref<6256xf32, #tpu.memory_space<hbm>>) target(%dma_start3A_231 : memref<6256xf32, #tpu.memory_space<vmem>>) target_semaphore(%arg13 : memref<!tpu.dma_semaphore, #tpu.memory_space<semaphore_mem>>)
      %dma_wait3A_234 = arith.constant 0 : i32
      %dma_wait3A_235 = tpu.memref_slice %arg8[%dma_wait3A_234] : memref<100000xf32, #tpu.memory_space<vmem>> -> memref<6256xf32, #tpu.memory_space<vmem>>
      %dma_wait3A_236 = arith.constant 56304 : i32
      %dma_wait3A_237 = tpu.memref_slice %arg3[%dma_wait3A_236] : memref<100000xf32, #tpu.memory_space<hbm>> -> memref<6256xf32, #tpu.memory_space<hbm>>
      %dma_wait3A_238 = arith.constant 0 : i32
      %dma_wait3A_239 = tpu.memref_slice %arg8[%dma_wait3A_238] : memref<100000xf32, #tpu.memory_space<vmem>> -> memref<6256xf32, #tpu.memory_space<vmem>>
      %dma_wait3A_240 = arith.constant 56304 : i32
      %dma_wait3A_241 = tpu.memref_slice %arg3[%dma_wait3A_240] : memref<100000xf32, #tpu.memory_space<hbm>> -> memref<6256xf32, #tpu.memory_space<hbm>>
      tpu.wait_dma2 semaphore(%arg13 : memref<!tpu.dma_semaphore, #tpu.memory_space<semaphore_mem>>) src(%dma_wait3A_241 : memref<6256xf32, #tpu.memory_space<hbm>>) dst(%dma_wait3A_239 : memref<6256xf32, #tpu.memory_space<vmem>>)
      %dma_start3A_242 = arith.constant 0 : i32
      %dma_start3A_243 = tpu.memref_slice %arg8[%dma_start3A_242] : memref<100000xf32, #tpu.memory_space<vmem>> -> memref<6256xf32, #tpu.memory_space<vmem>>
      %dma_start3A_244 = arith.constant 56304 : i32
      %dma_start3A_245 = tpu.memref_slice %arg7[%dma_start3A_244] : memref<100000xf32, #tpu.memory_space<vmem_shared>> -> memref<6256xf32, #tpu.memory_space<vmem_shared>>
      %dma_start3A_246 = arith.constant 56304 : i32
      %dma_start3A_247 = tpu.memref_slice %arg7[%dma_start3A_246] : memref<100000xf32, #tpu.memory_space<vmem_shared>> -> memref<6256xf32, #tpu.memory_space<vmem_shared>>
      %dma_start3A_248 = arith.constant 0 : i32
      %dma_start3A_249 = tpu.memref_slice %arg8[%dma_start3A_248] : memref<100000xf32, #tpu.memory_space<vmem>> -> memref<6256xf32, #tpu.memory_space<vmem>>
      tpu.enqueue_dma source(%dma_start3A_249 : memref<6256xf32, #tpu.memory_space<vmem>>) target(%dma_start3A_247 : memref<6256xf32, #tpu.memory_space<vmem_shared>>) target_semaphore(%arg13 : memref<!tpu.dma_semaphore, #tpu.memory_space<semaphore_mem>>)
      %dma_wait3A_250 = arith.constant 0 : i32
      %dma_wait3A_251 = tpu.memref_slice %arg8[%dma_wait3A_250] : memref<100000xf32, #tpu.memory_space<vmem>> -> memref<6256xf32, #tpu.memory_space<vmem>>
      %dma_wait3A_252 = arith.constant 56304 : i32
      %dma_wait3A_253 = tpu.memref_slice %arg7[%dma_wait3A_252] : memref<100000xf32, #tpu.memory_space<vmem_shared>> -> memref<6256xf32, #tpu.memory_space<vmem_shared>>
      %dma_wait3A_254 = arith.constant 56304 : i32
      %dma_wait3A_255 = tpu.memref_slice %arg7[%dma_wait3A_254] : memref<100000xf32, #tpu.memory_space<vmem_shared>> -> memref<6256xf32, #tpu.memory_space<vmem_shared>>
      %dma_wait3A_256 = arith.constant 0 : i32
      %dma_wait3A_257 = tpu.memref_slice %arg8[%dma_wait3A_256] : memref<100000xf32, #tpu.memory_space<vmem>> -> memref<6256xf32, #tpu.memory_space<vmem>>
      tpu.wait_dma2 semaphore(%arg13 : memref<!tpu.dma_semaphore, #tpu.memory_space<semaphore_mem>>) src(%dma_wait3A_257 : memref<6256xf32, #tpu.memory_space<vmem>>) dst(%dma_wait3A_255 : memref<6256xf32, #tpu.memory_space<vmem_shared>>)
    } else {
    }
    %eq3A_53 = arith.constant 10 : i32
    %eq3A_54 = arith.cmpi eq, %arg1, %eq3A_53 : i32
    %convert_element_type3A_55 = arith.extui %eq3A_54 : i1 to i32
    %cond3A_56 = arith.constant 0 : i32
    %cond3A_57 = arith.cmpi ne, %convert_element_type3A_55, %cond3A_56 : i32
    scf.if %cond3A_57 {
      %dma_start3A_226 = arith.constant 0 : i32
      %dma_start3A_227 = tpu.memref_slice %arg8[%dma_start3A_226] : memref<100000xf32, #tpu.memory_space<vmem>> -> memref<6256xf32, #tpu.memory_space<vmem>>
      %dma_start3A_228 = arith.constant 62560 : i32
      %dma_start3A_229 = tpu.memref_slice %arg3[%dma_start3A_228] : memref<100000xf32, #tpu.memory_space<hbm>> -> memref<6256xf32, #tpu.memory_space<hbm>>
      %dma_start3A_230 = arith.constant 0 : i32
      %dma_start3A_231 = tpu.memref_slice %arg8[%dma_start3A_230] : memref<100000xf32, #tpu.memory_space<vmem>> -> memref<6256xf32, #tpu.memory_space<vmem>>
      %dma_start3A_232 = arith.constant 62560 : i32
      %dma_start3A_233 = tpu.memref_slice %arg3[%dma_start3A_232] : memref<100000xf32, #tpu.memory_space<hbm>> -> memref<6256xf32, #tpu.memory_space<hbm>>
      tpu.enqueue_dma source(%dma_start3A_233 : memref<6256xf32, #tpu.memory_space<hbm>>) target(%dma_start3A_231 : memref<6256xf32, #tpu.memory_space<vmem>>) target_semaphore(%arg13 : memref<!tpu.dma_semaphore, #tpu.memory_space<semaphore_mem>>)
      %dma_wait3A_234 = arith.constant 0 : i32
      %dma_wait3A_235 = tpu.memref_slice %arg8[%dma_wait3A_234] : memref<100000xf32, #tpu.memory_space<vmem>> -> memref<6256xf32, #tpu.memory_space<vmem>>
      %dma_wait3A_236 = arith.constant 62560 : i32
      %dma_wait3A_237 = tpu.memref_slice %arg3[%dma_wait3A_236] : memref<100000xf32, #tpu.memory_space<hbm>> -> memref<6256xf32, #tpu.memory_space<hbm>>
      %dma_wait3A_238 = arith.constant 0 : i32
      %dma_wait3A_239 = tpu.memref_slice %arg8[%dma_wait3A_238] : memref<100000xf32, #tpu.memory_space<vmem>> -> memref<6256xf32, #tpu.memory_space<vmem>>
      %dma_wait3A_240 = arith.constant 62560 : i32
      %dma_wait3A_241 = tpu.memref_slice %arg3[%dma_wait3A_240] : memref<100000xf32, #tpu.memory_space<hbm>> -> memref<6256xf32, #tpu.memory_space<hbm>>
      tpu.wait_dma2 semaphore(%arg13 : memref<!tpu.dma_semaphore, #tpu.memory_space<semaphore_mem>>) src(%dma_wait3A_241 : memref<6256xf32, #tpu.memory_space<hbm>>) dst(%dma_wait3A_239 : memref<6256xf32, #tpu.memory_space<vmem>>)
      %dma_start3A_242 = arith.constant 0 : i32
      %dma_start3A_243 = tpu.memref_slice %arg8[%dma_start3A_242] : memref<100000xf32, #tpu.memory_space<vmem>> -> memref<6256xf32, #tpu.memory_space<vmem>>
      %dma_start3A_244 = arith.constant 62560 : i32
      %dma_start3A_245 = tpu.memref_slice %arg7[%dma_start3A_244] : memref<100000xf32, #tpu.memory_space<vmem_shared>> -> memref<6256xf32, #tpu.memory_space<vmem_shared>>
      %dma_start3A_246 = arith.constant 62560 : i32
      %dma_start3A_247 = tpu.memref_slice %arg7[%dma_start3A_246] : memref<100000xf32, #tpu.memory_space<vmem_shared>> -> memref<6256xf32, #tpu.memory_space<vmem_shared>>
      %dma_start3A_248 = arith.constant 0 : i32
      %dma_start3A_249 = tpu.memref_slice %arg8[%dma_start3A_248] : memref<100000xf32, #tpu.memory_space<vmem>> -> memref<6256xf32, #tpu.memory_space<vmem>>
      tpu.enqueue_dma source(%dma_start3A_249 : memref<6256xf32, #tpu.memory_space<vmem>>) target(%dma_start3A_247 : memref<6256xf32, #tpu.memory_space<vmem_shared>>) target_semaphore(%arg13 : memref<!tpu.dma_semaphore, #tpu.memory_space<semaphore_mem>>)
      %dma_wait3A_250 = arith.constant 0 : i32
      %dma_wait3A_251 = tpu.memref_slice %arg8[%dma_wait3A_250] : memref<100000xf32, #tpu.memory_space<vmem>> -> memref<6256xf32, #tpu.memory_space<vmem>>
      %dma_wait3A_252 = arith.constant 62560 : i32
      %dma_wait3A_253 = tpu.memref_slice %arg7[%dma_wait3A_252] : memref<100000xf32, #tpu.memory_space<vmem_shared>> -> memref<6256xf32, #tpu.memory_space<vmem_shared>>
      %dma_wait3A_254 = arith.constant 62560 : i32
      %dma_wait3A_255 = tpu.memref_slice %arg7[%dma_wait3A_254] : memref<100000xf32, #tpu.memory_space<vmem_shared>> -> memref<6256xf32, #tpu.memory_space<vmem_shared>>
      %dma_wait3A_256 = arith.constant 0 : i32
      %dma_wait3A_257 = tpu.memref_slice %arg8[%dma_wait3A_256] : memref<100000xf32, #tpu.memory_space<vmem>> -> memref<6256xf32, #tpu.memory_space<vmem>>
      tpu.wait_dma2 semaphore(%arg13 : memref<!tpu.dma_semaphore, #tpu.memory_space<semaphore_mem>>) src(%dma_wait3A_257 : memref<6256xf32, #tpu.memory_space<vmem>>) dst(%dma_wait3A_255 : memref<6256xf32, #tpu.memory_space<vmem_shared>>)
    } else {
    }
    %eq3A_58 = arith.constant 11 : i32
    %eq3A_59 = arith.cmpi eq, %arg1, %eq3A_58 : i32
    %convert_element_type3A_60 = arith.extui %eq3A_59 : i1 to i32
    %cond3A_61 = arith.constant 0 : i32
    %cond3A_62 = arith.cmpi ne, %convert_element_type3A_60, %cond3A_61 : i32
    scf.if %cond3A_62 {
      %dma_start3A_226 = arith.constant 0 : i32
      %dma_start3A_227 = tpu.memref_slice %arg8[%dma_start3A_226] : memref<100000xf32, #tpu.memory_space<vmem>> -> memref<6256xf32, #tpu.memory_space<vmem>>
      %dma_start3A_228 = arith.constant 68816 : i32
      %dma_start3A_229 = tpu.memref_slice %arg3[%dma_start3A_228] : memref<100000xf32, #tpu.memory_space<hbm>> -> memref<6256xf32, #tpu.memory_space<hbm>>
      %dma_start3A_230 = arith.constant 0 : i32
      %dma_start3A_231 = tpu.memref_slice %arg8[%dma_start3A_230] : memref<100000xf32, #tpu.memory_space<vmem>> -> memref<6256xf32, #tpu.memory_space<vmem>>
      %dma_start3A_232 = arith.constant 68816 : i32
      %dma_start3A_233 = tpu.memref_slice %arg3[%dma_start3A_232] : memref<100000xf32, #tpu.memory_space<hbm>> -> memref<6256xf32, #tpu.memory_space<hbm>>
      tpu.enqueue_dma source(%dma_start3A_233 : memref<6256xf32, #tpu.memory_space<hbm>>) target(%dma_start3A_231 : memref<6256xf32, #tpu.memory_space<vmem>>) target_semaphore(%arg13 : memref<!tpu.dma_semaphore, #tpu.memory_space<semaphore_mem>>)
      %dma_wait3A_234 = arith.constant 0 : i32
      %dma_wait3A_235 = tpu.memref_slice %arg8[%dma_wait3A_234] : memref<100000xf32, #tpu.memory_space<vmem>> -> memref<6256xf32, #tpu.memory_space<vmem>>
      %dma_wait3A_236 = arith.constant 68816 : i32
      %dma_wait3A_237 = tpu.memref_slice %arg3[%dma_wait3A_236] : memref<100000xf32, #tpu.memory_space<hbm>> -> memref<6256xf32, #tpu.memory_space<hbm>>
      %dma_wait3A_238 = arith.constant 0 : i32
      %dma_wait3A_239 = tpu.memref_slice %arg8[%dma_wait3A_238] : memref<100000xf32, #tpu.memory_space<vmem>> -> memref<6256xf32, #tpu.memory_space<vmem>>
      %dma_wait3A_240 = arith.constant 68816 : i32
      %dma_wait3A_241 = tpu.memref_slice %arg3[%dma_wait3A_240] : memref<100000xf32, #tpu.memory_space<hbm>> -> memref<6256xf32, #tpu.memory_space<hbm>>
      tpu.wait_dma2 semaphore(%arg13 : memref<!tpu.dma_semaphore, #tpu.memory_space<semaphore_mem>>) src(%dma_wait3A_241 : memref<6256xf32, #tpu.memory_space<hbm>>) dst(%dma_wait3A_239 : memref<6256xf32, #tpu.memory_space<vmem>>)
      %dma_start3A_242 = arith.constant 0 : i32
      %dma_start3A_243 = tpu.memref_slice %arg8[%dma_start3A_242] : memref<100000xf32, #tpu.memory_space<vmem>> -> memref<6256xf32, #tpu.memory_space<vmem>>
      %dma_start3A_244 = arith.constant 68816 : i32
      %dma_start3A_245 = tpu.memref_slice %arg7[%dma_start3A_244] : memref<100000xf32, #tpu.memory_space<vmem_shared>> -> memref<6256xf32, #tpu.memory_space<vmem_shared>>
      %dma_start3A_246 = arith.constant 68816 : i32
      %dma_start3A_247 = tpu.memref_slice %arg7[%dma_start3A_246] : memref<100000xf32, #tpu.memory_space<vmem_shared>> -> memref<6256xf32, #tpu.memory_space<vmem_shared>>
      %dma_start3A_248 = arith.constant 0 : i32
      %dma_start3A_249 = tpu.memref_slice %arg8[%dma_start3A_248] : memref<100000xf32, #tpu.memory_space<vmem>> -> memref<6256xf32, #tpu.memory_space<vmem>>
      tpu.enqueue_dma source(%dma_start3A_249 : memref<6256xf32, #tpu.memory_space<vmem>>) target(%dma_start3A_247 : memref<6256xf32, #tpu.memory_space<vmem_shared>>) target_semaphore(%arg13 : memref<!tpu.dma_semaphore, #tpu.memory_space<semaphore_mem>>)
      %dma_wait3A_250 = arith.constant 0 : i32
      %dma_wait3A_251 = tpu.memref_slice %arg8[%dma_wait3A_250] : memref<100000xf32, #tpu.memory_space<vmem>> -> memref<6256xf32, #tpu.memory_space<vmem>>
      %dma_wait3A_252 = arith.constant 68816 : i32
      %dma_wait3A_253 = tpu.memref_slice %arg7[%dma_wait3A_252] : memref<100000xf32, #tpu.memory_space<vmem_shared>> -> memref<6256xf32, #tpu.memory_space<vmem_shared>>
      %dma_wait3A_254 = arith.constant 68816 : i32
      %dma_wait3A_255 = tpu.memref_slice %arg7[%dma_wait3A_254] : memref<100000xf32, #tpu.memory_space<vmem_shared>> -> memref<6256xf32, #tpu.memory_space<vmem_shared>>
      %dma_wait3A_256 = arith.constant 0 : i32
      %dma_wait3A_257 = tpu.memref_slice %arg8[%dma_wait3A_256] : memref<100000xf32, #tpu.memory_space<vmem>> -> memref<6256xf32, #tpu.memory_space<vmem>>
      tpu.wait_dma2 semaphore(%arg13 : memref<!tpu.dma_semaphore, #tpu.memory_space<semaphore_mem>>) src(%dma_wait3A_257 : memref<6256xf32, #tpu.memory_space<vmem>>) dst(%dma_wait3A_255 : memref<6256xf32, #tpu.memory_space<vmem_shared>>)
    } else {
    }
    %eq3A_63 = arith.constant 12 : i32
    %eq3A_64 = arith.cmpi eq, %arg1, %eq3A_63 : i32
    %convert_element_type3A_65 = arith.extui %eq3A_64 : i1 to i32
    %cond3A_66 = arith.constant 0 : i32
    %cond3A_67 = arith.cmpi ne, %convert_element_type3A_65, %cond3A_66 : i32
    scf.if %cond3A_67 {
      %dma_start3A_226 = arith.constant 0 : i32
      %dma_start3A_227 = tpu.memref_slice %arg8[%dma_start3A_226] : memref<100000xf32, #tpu.memory_space<vmem>> -> memref<6256xf32, #tpu.memory_space<vmem>>
      %dma_start3A_228 = arith.constant 75072 : i32
      %dma_start3A_229 = tpu.memref_slice %arg3[%dma_start3A_228] : memref<100000xf32, #tpu.memory_space<hbm>> -> memref<6256xf32, #tpu.memory_space<hbm>>
      %dma_start3A_230 = arith.constant 0 : i32
      %dma_start3A_231 = tpu.memref_slice %arg8[%dma_start3A_230] : memref<100000xf32, #tpu.memory_space<vmem>> -> memref<6256xf32, #tpu.memory_space<vmem>>
      %dma_start3A_232 = arith.constant 75072 : i32
      %dma_start3A_233 = tpu.memref_slice %arg3[%dma_start3A_232] : memref<100000xf32, #tpu.memory_space<hbm>> -> memref<6256xf32, #tpu.memory_space<hbm>>
      tpu.enqueue_dma source(%dma_start3A_233 : memref<6256xf32, #tpu.memory_space<hbm>>) target(%dma_start3A_231 : memref<6256xf32, #tpu.memory_space<vmem>>) target_semaphore(%arg13 : memref<!tpu.dma_semaphore, #tpu.memory_space<semaphore_mem>>)
      %dma_wait3A_234 = arith.constant 0 : i32
      %dma_wait3A_235 = tpu.memref_slice %arg8[%dma_wait3A_234] : memref<100000xf32, #tpu.memory_space<vmem>> -> memref<6256xf32, #tpu.memory_space<vmem>>
      %dma_wait3A_236 = arith.constant 75072 : i32
      %dma_wait3A_237 = tpu.memref_slice %arg3[%dma_wait3A_236] : memref<100000xf32, #tpu.memory_space<hbm>> -> memref<6256xf32, #tpu.memory_space<hbm>>
      %dma_wait3A_238 = arith.constant 0 : i32
      %dma_wait3A_239 = tpu.memref_slice %arg8[%dma_wait3A_238] : memref<100000xf32, #tpu.memory_space<vmem>> -> memref<6256xf32, #tpu.memory_space<vmem>>
      %dma_wait3A_240 = arith.constant 75072 : i32
      %dma_wait3A_241 = tpu.memref_slice %arg3[%dma_wait3A_240] : memref<100000xf32, #tpu.memory_space<hbm>> -> memref<6256xf32, #tpu.memory_space<hbm>>
      tpu.wait_dma2 semaphore(%arg13 : memref<!tpu.dma_semaphore, #tpu.memory_space<semaphore_mem>>) src(%dma_wait3A_241 : memref<6256xf32, #tpu.memory_space<hbm>>) dst(%dma_wait3A_239 : memref<6256xf32, #tpu.memory_space<vmem>>)
      %dma_start3A_242 = arith.constant 0 : i32
      %dma_start3A_243 = tpu.memref_slice %arg8[%dma_start3A_242] : memref<100000xf32, #tpu.memory_space<vmem>> -> memref<6256xf32, #tpu.memory_space<vmem>>
      %dma_start3A_244 = arith.constant 75072 : i32
      %dma_start3A_245 = tpu.memref_slice %arg7[%dma_start3A_244] : memref<100000xf32, #tpu.memory_space<vmem_shared>> -> memref<6256xf32, #tpu.memory_space<vmem_shared>>
      %dma_start3A_246 = arith.constant 75072 : i32
      %dma_start3A_247 = tpu.memref_slice %arg7[%dma_start3A_246] : memref<100000xf32, #tpu.memory_space<vmem_shared>> -> memref<6256xf32, #tpu.memory_space<vmem_shared>>
      %dma_start3A_248 = arith.constant 0 : i32
      %dma_start3A_249 = tpu.memref_slice %arg8[%dma_start3A_248] : memref<100000xf32, #tpu.memory_space<vmem>> -> memref<6256xf32, #tpu.memory_space<vmem>>
      tpu.enqueue_dma source(%dma_start3A_249 : memref<6256xf32, #tpu.memory_space<vmem>>) target(%dma_start3A_247 : memref<6256xf32, #tpu.memory_space<vmem_shared>>) target_semaphore(%arg13 : memref<!tpu.dma_semaphore, #tpu.memory_space<semaphore_mem>>)
      %dma_wait3A_250 = arith.constant 0 : i32
      %dma_wait3A_251 = tpu.memref_slice %arg8[%dma_wait3A_250] : memref<100000xf32, #tpu.memory_space<vmem>> -> memref<6256xf32, #tpu.memory_space<vmem>>
      %dma_wait3A_252 = arith.constant 75072 : i32
      %dma_wait3A_253 = tpu.memref_slice %arg7[%dma_wait3A_252] : memref<100000xf32, #tpu.memory_space<vmem_shared>> -> memref<6256xf32, #tpu.memory_space<vmem_shared>>
      %dma_wait3A_254 = arith.constant 75072 : i32
      %dma_wait3A_255 = tpu.memref_slice %arg7[%dma_wait3A_254] : memref<100000xf32, #tpu.memory_space<vmem_shared>> -> memref<6256xf32, #tpu.memory_space<vmem_shared>>
      %dma_wait3A_256 = arith.constant 0 : i32
      %dma_wait3A_257 = tpu.memref_slice %arg8[%dma_wait3A_256] : memref<100000xf32, #tpu.memory_space<vmem>> -> memref<6256xf32, #tpu.memory_space<vmem>>
      tpu.wait_dma2 semaphore(%arg13 : memref<!tpu.dma_semaphore, #tpu.memory_space<semaphore_mem>>) src(%dma_wait3A_257 : memref<6256xf32, #tpu.memory_space<vmem>>) dst(%dma_wait3A_255 : memref<6256xf32, #tpu.memory_space<vmem_shared>>)
    } else {
    }
    %eq3A_68 = arith.constant 13 : i32
    %eq3A_69 = arith.cmpi eq, %arg1, %eq3A_68 : i32
    %convert_element_type3A_70 = arith.extui %eq3A_69 : i1 to i32
    %cond3A_71 = arith.constant 0 : i32
    %cond3A_72 = arith.cmpi ne, %convert_element_type3A_70, %cond3A_71 : i32
    scf.if %cond3A_72 {
      %dma_start3A_226 = arith.constant 0 : i32
      %dma_start3A_227 = tpu.memref_slice %arg8[%dma_start3A_226] : memref<100000xf32, #tpu.memory_space<vmem>> -> memref<6256xf32, #tpu.memory_space<vmem>>
      %dma_start3A_228 = arith.constant 81328 : i32
      %dma_start3A_229 = tpu.memref_slice %arg3[%dma_start3A_228] : memref<100000xf32, #tpu.memory_space<hbm>> -> memref<6256xf32, #tpu.memory_space<hbm>>
      %dma_start3A_230 = arith.constant 0 : i32
      %dma_start3A_231 = tpu.memref_slice %arg8[%dma_start3A_230] : memref<100000xf32, #tpu.memory_space<vmem>> -> memref<6256xf32, #tpu.memory_space<vmem>>
      %dma_start3A_232 = arith.constant 81328 : i32
      %dma_start3A_233 = tpu.memref_slice %arg3[%dma_start3A_232] : memref<100000xf32, #tpu.memory_space<hbm>> -> memref<6256xf32, #tpu.memory_space<hbm>>
      tpu.enqueue_dma source(%dma_start3A_233 : memref<6256xf32, #tpu.memory_space<hbm>>) target(%dma_start3A_231 : memref<6256xf32, #tpu.memory_space<vmem>>) target_semaphore(%arg13 : memref<!tpu.dma_semaphore, #tpu.memory_space<semaphore_mem>>)
      %dma_wait3A_234 = arith.constant 0 : i32
      %dma_wait3A_235 = tpu.memref_slice %arg8[%dma_wait3A_234] : memref<100000xf32, #tpu.memory_space<vmem>> -> memref<6256xf32, #tpu.memory_space<vmem>>
      %dma_wait3A_236 = arith.constant 81328 : i32
      %dma_wait3A_237 = tpu.memref_slice %arg3[%dma_wait3A_236] : memref<100000xf32, #tpu.memory_space<hbm>> -> memref<6256xf32, #tpu.memory_space<hbm>>
      %dma_wait3A_238 = arith.constant 0 : i32
      %dma_wait3A_239 = tpu.memref_slice %arg8[%dma_wait3A_238] : memref<100000xf32, #tpu.memory_space<vmem>> -> memref<6256xf32, #tpu.memory_space<vmem>>
      %dma_wait3A_240 = arith.constant 81328 : i32
      %dma_wait3A_241 = tpu.memref_slice %arg3[%dma_wait3A_240] : memref<100000xf32, #tpu.memory_space<hbm>> -> memref<6256xf32, #tpu.memory_space<hbm>>
      tpu.wait_dma2 semaphore(%arg13 : memref<!tpu.dma_semaphore, #tpu.memory_space<semaphore_mem>>) src(%dma_wait3A_241 : memref<6256xf32, #tpu.memory_space<hbm>>) dst(%dma_wait3A_239 : memref<6256xf32, #tpu.memory_space<vmem>>)
      %dma_start3A_242 = arith.constant 0 : i32
      %dma_start3A_243 = tpu.memref_slice %arg8[%dma_start3A_242] : memref<100000xf32, #tpu.memory_space<vmem>> -> memref<6256xf32, #tpu.memory_space<vmem>>
      %dma_start3A_244 = arith.constant 81328 : i32
      %dma_start3A_245 = tpu.memref_slice %arg7[%dma_start3A_244] : memref<100000xf32, #tpu.memory_space<vmem_shared>> -> memref<6256xf32, #tpu.memory_space<vmem_shared>>
      %dma_start3A_246 = arith.constant 81328 : i32
      %dma_start3A_247 = tpu.memref_slice %arg7[%dma_start3A_246] : memref<100000xf32, #tpu.memory_space<vmem_shared>> -> memref<6256xf32, #tpu.memory_space<vmem_shared>>
      %dma_start3A_248 = arith.constant 0 : i32
      %dma_start3A_249 = tpu.memref_slice %arg8[%dma_start3A_248] : memref<100000xf32, #tpu.memory_space<vmem>> -> memref<6256xf32, #tpu.memory_space<vmem>>
      tpu.enqueue_dma source(%dma_start3A_249 : memref<6256xf32, #tpu.memory_space<vmem>>) target(%dma_start3A_247 : memref<6256xf32, #tpu.memory_space<vmem_shared>>) target_semaphore(%arg13 : memref<!tpu.dma_semaphore, #tpu.memory_space<semaphore_mem>>)
      %dma_wait3A_250 = arith.constant 0 : i32
      %dma_wait3A_251 = tpu.memref_slice %arg8[%dma_wait3A_250] : memref<100000xf32, #tpu.memory_space<vmem>> -> memref<6256xf32, #tpu.memory_space<vmem>>
      %dma_wait3A_252 = arith.constant 81328 : i32
      %dma_wait3A_253 = tpu.memref_slice %arg7[%dma_wait3A_252] : memref<100000xf32, #tpu.memory_space<vmem_shared>> -> memref<6256xf32, #tpu.memory_space<vmem_shared>>
      %dma_wait3A_254 = arith.constant 81328 : i32
      %dma_wait3A_255 = tpu.memref_slice %arg7[%dma_wait3A_254] : memref<100000xf32, #tpu.memory_space<vmem_shared>> -> memref<6256xf32, #tpu.memory_space<vmem_shared>>
      %dma_wait3A_256 = arith.constant 0 : i32
      %dma_wait3A_257 = tpu.memref_slice %arg8[%dma_wait3A_256] : memref<100000xf32, #tpu.memory_space<vmem>> -> memref<6256xf32, #tpu.memory_space<vmem>>
      tpu.wait_dma2 semaphore(%arg13 : memref<!tpu.dma_semaphore, #tpu.memory_space<semaphore_mem>>) src(%dma_wait3A_257 : memref<6256xf32, #tpu.memory_space<vmem>>) dst(%dma_wait3A_255 : memref<6256xf32, #tpu.memory_space<vmem_shared>>)
    } else {
    }
    %eq3A_73 = arith.constant 14 : i32
    %eq3A_74 = arith.cmpi eq, %arg1, %eq3A_73 : i32
    %convert_element_type3A_75 = arith.extui %eq3A_74 : i1 to i32
    %cond3A_76 = arith.constant 0 : i32
    %cond3A_77 = arith.cmpi ne, %convert_element_type3A_75, %cond3A_76 : i32
    scf.if %cond3A_77 {
      %dma_start3A_226 = arith.constant 0 : i32
      %dma_start3A_227 = tpu.memref_slice %arg8[%dma_start3A_226] : memref<100000xf32, #tpu.memory_space<vmem>> -> memref<6256xf32, #tpu.memory_space<vmem>>
      %dma_start3A_228 = arith.constant 87584 : i32
      %dma_start3A_229 = tpu.memref_slice %arg3[%dma_start3A_228] : memref<100000xf32, #tpu.memory_space<hbm>> -> memref<6256xf32, #tpu.memory_space<hbm>>
      %dma_start3A_230 = arith.constant 0 : i32
      %dma_start3A_231 = tpu.memref_slice %arg8[%dma_start3A_230] : memref<100000xf32, #tpu.memory_space<vmem>> -> memref<6256xf32, #tpu.memory_space<vmem>>
      %dma_start3A_232 = arith.constant 87584 : i32
      %dma_start3A_233 = tpu.memref_slice %arg3[%dma_start3A_232] : memref<100000xf32, #tpu.memory_space<hbm>> -> memref<6256xf32, #tpu.memory_space<hbm>>
      tpu.enqueue_dma source(%dma_start3A_233 : memref<6256xf32, #tpu.memory_space<hbm>>) target(%dma_start3A_231 : memref<6256xf32, #tpu.memory_space<vmem>>) target_semaphore(%arg13 : memref<!tpu.dma_semaphore, #tpu.memory_space<semaphore_mem>>)
      %dma_wait3A_234 = arith.constant 0 : i32
      %dma_wait3A_235 = tpu.memref_slice %arg8[%dma_wait3A_234] : memref<100000xf32, #tpu.memory_space<vmem>> -> memref<6256xf32, #tpu.memory_space<vmem>>
      %dma_wait3A_236 = arith.constant 87584 : i32
      %dma_wait3A_237 = tpu.memref_slice %arg3[%dma_wait3A_236] : memref<100000xf32, #tpu.memory_space<hbm>> -> memref<6256xf32, #tpu.memory_space<hbm>>
      %dma_wait3A_238 = arith.constant 0 : i32
      %dma_wait3A_239 = tpu.memref_slice %arg8[%dma_wait3A_238] : memref<100000xf32, #tpu.memory_space<vmem>> -> memref<6256xf32, #tpu.memory_space<vmem>>
      %dma_wait3A_240 = arith.constant 87584 : i32
      %dma_wait3A_241 = tpu.memref_slice %arg3[%dma_wait3A_240] : memref<100000xf32, #tpu.memory_space<hbm>> -> memref<6256xf32, #tpu.memory_space<hbm>>
      tpu.wait_dma2 semaphore(%arg13 : memref<!tpu.dma_semaphore, #tpu.memory_space<semaphore_mem>>) src(%dma_wait3A_241 : memref<6256xf32, #tpu.memory_space<hbm>>) dst(%dma_wait3A_239 : memref<6256xf32, #tpu.memory_space<vmem>>)
      %dma_start3A_242 = arith.constant 0 : i32
      %dma_start3A_243 = tpu.memref_slice %arg8[%dma_start3A_242] : memref<100000xf32, #tpu.memory_space<vmem>> -> memref<6256xf32, #tpu.memory_space<vmem>>
      %dma_start3A_244 = arith.constant 87584 : i32
      %dma_start3A_245 = tpu.memref_slice %arg7[%dma_start3A_244] : memref<100000xf32, #tpu.memory_space<vmem_shared>> -> memref<6256xf32, #tpu.memory_space<vmem_shared>>
      %dma_start3A_246 = arith.constant 87584 : i32
      %dma_start3A_247 = tpu.memref_slice %arg7[%dma_start3A_246] : memref<100000xf32, #tpu.memory_space<vmem_shared>> -> memref<6256xf32, #tpu.memory_space<vmem_shared>>
      %dma_start3A_248 = arith.constant 0 : i32
      %dma_start3A_249 = tpu.memref_slice %arg8[%dma_start3A_248] : memref<100000xf32, #tpu.memory_space<vmem>> -> memref<6256xf32, #tpu.memory_space<vmem>>
      tpu.enqueue_dma source(%dma_start3A_249 : memref<6256xf32, #tpu.memory_space<vmem>>) target(%dma_start3A_247 : memref<6256xf32, #tpu.memory_space<vmem_shared>>) target_semaphore(%arg13 : memref<!tpu.dma_semaphore, #tpu.memory_space<semaphore_mem>>)
      %dma_wait3A_250 = arith.constant 0 : i32
      %dma_wait3A_251 = tpu.memref_slice %arg8[%dma_wait3A_250] : memref<100000xf32, #tpu.memory_space<vmem>> -> memref<6256xf32, #tpu.memory_space<vmem>>
      %dma_wait3A_252 = arith.constant 87584 : i32
      %dma_wait3A_253 = tpu.memref_slice %arg7[%dma_wait3A_252] : memref<100000xf32, #tpu.memory_space<vmem_shared>> -> memref<6256xf32, #tpu.memory_space<vmem_shared>>
      %dma_wait3A_254 = arith.constant 87584 : i32
      %dma_wait3A_255 = tpu.memref_slice %arg7[%dma_wait3A_254] : memref<100000xf32, #tpu.memory_space<vmem_shared>> -> memref<6256xf32, #tpu.memory_space<vmem_shared>>
      %dma_wait3A_256 = arith.constant 0 : i32
      %dma_wait3A_257 = tpu.memref_slice %arg8[%dma_wait3A_256] : memref<100000xf32, #tpu.memory_space<vmem>> -> memref<6256xf32, #tpu.memory_space<vmem>>
      tpu.wait_dma2 semaphore(%arg13 : memref<!tpu.dma_semaphore, #tpu.memory_space<semaphore_mem>>) src(%dma_wait3A_257 : memref<6256xf32, #tpu.memory_space<vmem>>) dst(%dma_wait3A_255 : memref<6256xf32, #tpu.memory_space<vmem_shared>>)
    } else {
    }
    %eq3A_78 = arith.constant 15 : i32
    %eq3A_79 = arith.cmpi eq, %arg1, %eq3A_78 : i32
    %convert_element_type3A_80 = arith.extui %eq3A_79 : i1 to i32
    %cond3A_81 = arith.constant 0 : i32
    %cond3A_82 = arith.cmpi ne, %convert_element_type3A_80, %cond3A_81 : i32
    scf.if %cond3A_82 {
      %dma_start3A_226 = arith.constant 0 : i32
      %dma_start3A_227 = tpu.memref_slice %arg8[%dma_start3A_226] : memref<100000xf32, #tpu.memory_space<vmem>> -> memref<6256xf32, #tpu.memory_space<vmem>>
      %dma_start3A_228 = arith.constant 93744 : i32
      %dma_start3A_229 = tpu.memref_slice %arg3[%dma_start3A_228] : memref<100000xf32, #tpu.memory_space<hbm>> -> memref<6256xf32, #tpu.memory_space<hbm>>
      %dma_start3A_230 = arith.constant 0 : i32
      %dma_start3A_231 = tpu.memref_slice %arg8[%dma_start3A_230] : memref<100000xf32, #tpu.memory_space<vmem>> -> memref<6256xf32, #tpu.memory_space<vmem>>
      %dma_start3A_232 = arith.constant 93744 : i32
      %dma_start3A_233 = tpu.memref_slice %arg3[%dma_start3A_232] : memref<100000xf32, #tpu.memory_space<hbm>> -> memref<6256xf32, #tpu.memory_space<hbm>>
      tpu.enqueue_dma source(%dma_start3A_233 : memref<6256xf32, #tpu.memory_space<hbm>>) target(%dma_start3A_231 : memref<6256xf32, #tpu.memory_space<vmem>>) target_semaphore(%arg13 : memref<!tpu.dma_semaphore, #tpu.memory_space<semaphore_mem>>)
      %dma_wait3A_234 = arith.constant 0 : i32
      %dma_wait3A_235 = tpu.memref_slice %arg8[%dma_wait3A_234] : memref<100000xf32, #tpu.memory_space<vmem>> -> memref<6256xf32, #tpu.memory_space<vmem>>
      %dma_wait3A_236 = arith.constant 93744 : i32
      %dma_wait3A_237 = tpu.memref_slice %arg3[%dma_wait3A_236] : memref<100000xf32, #tpu.memory_space<hbm>> -> memref<6256xf32, #tpu.memory_space<hbm>>
      %dma_wait3A_238 = arith.constant 0 : i32
      %dma_wait3A_239 = tpu.memref_slice %arg8[%dma_wait3A_238] : memref<100000xf32, #tpu.memory_space<vmem>> -> memref<6256xf32, #tpu.memory_space<vmem>>
      %dma_wait3A_240 = arith.constant 93744 : i32
      %dma_wait3A_241 = tpu.memref_slice %arg3[%dma_wait3A_240] : memref<100000xf32, #tpu.memory_space<hbm>> -> memref<6256xf32, #tpu.memory_space<hbm>>
      tpu.wait_dma2 semaphore(%arg13 : memref<!tpu.dma_semaphore, #tpu.memory_space<semaphore_mem>>) src(%dma_wait3A_241 : memref<6256xf32, #tpu.memory_space<hbm>>) dst(%dma_wait3A_239 : memref<6256xf32, #tpu.memory_space<vmem>>)
      %dma_start3A_242 = arith.constant 0 : i32
      %dma_start3A_243 = tpu.memref_slice %arg8[%dma_start3A_242] : memref<100000xf32, #tpu.memory_space<vmem>> -> memref<6256xf32, #tpu.memory_space<vmem>>
      %dma_start3A_244 = arith.constant 93744 : i32
      %dma_start3A_245 = tpu.memref_slice %arg7[%dma_start3A_244] : memref<100000xf32, #tpu.memory_space<vmem_shared>> -> memref<6256xf32, #tpu.memory_space<vmem_shared>>
      %dma_start3A_246 = arith.constant 93744 : i32
      %dma_start3A_247 = tpu.memref_slice %arg7[%dma_start3A_246] : memref<100000xf32, #tpu.memory_space<vmem_shared>> -> memref<6256xf32, #tpu.memory_space<vmem_shared>>
      %dma_start3A_248 = arith.constant 0 : i32
      %dma_start3A_249 = tpu.memref_slice %arg8[%dma_start3A_248] : memref<100000xf32, #tpu.memory_space<vmem>> -> memref<6256xf32, #tpu.memory_space<vmem>>
      tpu.enqueue_dma source(%dma_start3A_249 : memref<6256xf32, #tpu.memory_space<vmem>>) target(%dma_start3A_247 : memref<6256xf32, #tpu.memory_space<vmem_shared>>) target_semaphore(%arg13 : memref<!tpu.dma_semaphore, #tpu.memory_space<semaphore_mem>>)
      %dma_wait3A_250 = arith.constant 0 : i32
      %dma_wait3A_251 = tpu.memref_slice %arg8[%dma_wait3A_250] : memref<100000xf32, #tpu.memory_space<vmem>> -> memref<6256xf32, #tpu.memory_space<vmem>>
      %dma_wait3A_252 = arith.constant 93744 : i32
      %dma_wait3A_253 = tpu.memref_slice %arg7[%dma_wait3A_252] : memref<100000xf32, #tpu.memory_space<vmem_shared>> -> memref<6256xf32, #tpu.memory_space<vmem_shared>>
      %dma_wait3A_254 = arith.constant 93744 : i32
      %dma_wait3A_255 = tpu.memref_slice %arg7[%dma_wait3A_254] : memref<100000xf32, #tpu.memory_space<vmem_shared>> -> memref<6256xf32, #tpu.memory_space<vmem_shared>>
      %dma_wait3A_256 = arith.constant 0 : i32
      %dma_wait3A_257 = tpu.memref_slice %arg8[%dma_wait3A_256] : memref<100000xf32, #tpu.memory_space<vmem>> -> memref<6256xf32, #tpu.memory_space<vmem>>
      tpu.wait_dma2 semaphore(%arg13 : memref<!tpu.dma_semaphore, #tpu.memory_space<semaphore_mem>>) src(%dma_wait3A_257 : memref<6256xf32, #tpu.memory_space<vmem>>) dst(%dma_wait3A_255 : memref<6256xf32, #tpu.memory_space<vmem_shared>>)
    } else {
    }
    %barrier3A = arith.constant 0 : index
    tpu.barrier barrier_id(%barrier3A)
    tpu.enqueue_dma source(%arg7 : memref<100000xf32, #tpu.memory_space<vmem_shared>>) target(%arg8 : memref<100000xf32, #tpu.memory_space<vmem>>) target_semaphore(%arg13 : memref<!tpu.dma_semaphore, #tpu.memory_space<semaphore_mem>>)
    %dma_wait3A = tpu.memref_slice %arg2[%mul3A_4] : memref<614400xi32, #tpu.memory_space<hbm>> -> memref<19200xi32, #tpu.memory_space<hbm>>
    %dma_wait3A_83 = tpu.memref_slice %arg2[%mul3A_4] : memref<614400xi32, #tpu.memory_space<hbm>> -> memref<19200xi32, #tpu.memory_space<hbm>>
    tpu.wait_dma2 semaphore(%arg14 : memref<!tpu.dma_semaphore, #tpu.memory_space<semaphore_mem>>) src(%dma_wait3A_83 : memref<19200xi32, #tpu.memory_space<hbm>>) dst(%arg9 : memref<19200xi32, #tpu.memory_space<vmem>>)
    tpu.wait_dma2 semaphore(%arg13 : memref<!tpu.dma_semaphore, #tpu.memory_space<semaphore_mem>>) src(%arg7 : memref<100000xf32, #tpu.memory_space<vmem_shared>>) dst(%arg8 : memref<100000xf32, #tpu.memory_space<vmem>>)
    %iota3A = tpu.iota {dimensions = array<i32: 0>} : vector<16xi32>
    %broadcast_in_dim3A = arith.constant 0.000000e+00 : f32
    %broadcast_in_dim3A_84 = vector.broadcast %broadcast_in_dim3A : f32 to vector<16xf32>
    %broadcast_in_dim3A_85 = arith.constant 1.000000e+00 : f32
    %broadcast_in_dim3A_86 = vector.broadcast %broadcast_in_dim3A_85 : f32 to vector<16xf32>
    %add3A_87 = arith.constant 0 : i32
    %add3A_88 = vector.broadcast %add3A_87 : i32 to vector<16xi32>
    %add3A_89 = arith.addi %iota3A, %add3A_88 : vector<16xi32>
    %mul3A_90 = arith.constant 600 : i32
    %mul3A_91 = vector.broadcast %mul3A_90 : i32 to vector<16xi32>
    %mul3A_92 = arith.muli %add3A_89, %mul3A_91 : vector<16xi32>
    %scan3A = arith.constant 0 : i32
    %scan3A_93 = arith.constant 50 : i32
    %scan3A_94 = arith.addi %scan3A, %scan3A_93 : i32
    %scan3A_95 = arith.constant 1 : i32
    %scan3A_96:4 = scf.for %scan3A_226 = %scan3A to %scan3A_94 step %scan3A_95 iter_args(%scan3A_227 = %broadcast_in_dim3A_86, %scan3A_228 = %broadcast_in_dim3A_84, %scan3A_229 = %broadcast_in_dim3A_84, %scan3A_230 = %broadcast_in_dim3A_84) -> (vector<16xf32>, vector<16xf32>, vector<16xf32>, vector<16xf32>)  : i32 {
      %mul3A_231 = arith.constant 12 : i32
      %mul3A_232 = arith.muli %mul3A_231, %scan3A_226 : i32
      %add3A_233 = vector.broadcast %mul3A_232 : i32 to vector<16xi32>
      %add3A_234 = arith.addi %mul3A_92, %add3A_233 : vector<16xi32>
      %add3A_235 = arith.constant 0 : i32
      %add3A_236 = vector.broadcast %add3A_235 : i32 to vector<16xi32>
      %add3A_237 = arith.addi %add3A_234, %add3A_236 : vector<16xi32>
      %gather3A = tpu.vector_load_idx %arg9[%add3A_237] : memref<19200xi32, #tpu.memory_space<vmem>>[vector<16xi32>], vector<16xi32>,
      %add3A_238 = arith.constant 3 : i32
      %add3A_239 = vector.broadcast %add3A_238 : i32 to vector<16xi32>
      %add3A_240 = arith.addi %add3A_234, %add3A_239 : vector<16xi32>
      %gather3A_241 = tpu.vector_load_idx %arg9[%add3A_240] : memref<19200xi32, #tpu.memory_space<vmem>>[vector<16xi32>], vector<16xi32>,
      %add3A_242 = arith.constant 6 : i32
      %add3A_243 = vector.broadcast %add3A_242 : i32 to vector<16xi32>
      %add3A_244 = arith.addi %add3A_234, %add3A_243 : vector<16xi32>
      %gather3A_245 = tpu.vector_load_idx %arg9[%add3A_244] : memref<19200xi32, #tpu.memory_space<vmem>>[vector<16xi32>], vector<16xi32>,
      %add3A_246 = arith.constant 9 : i32
      %add3A_247 = vector.broadcast %add3A_246 : i32 to vector<16xi32>
      %add3A_248 = arith.addi %add3A_234, %add3A_247 : vector<16xi32>
      %gather3A_249 = tpu.vector_load_idx %arg9[%add3A_248] : memref<19200xi32, #tpu.memory_space<vmem>>[vector<16xi32>], vector<16xi32>,
      %add3A_250 = arith.constant 0 : i32
      %add3A_251 = vector.broadcast %add3A_250 : i32 to vector<16xi32>
      %add3A_252 = arith.addi %add3A_234, %add3A_251 : vector<16xi32>
      %add3A_253 = arith.constant 2 : i32
      %add3A_254 = vector.broadcast %add3A_253 : i32 to vector<16xi32>
      %add3A_255 = arith.addi %add3A_252, %add3A_254 : vector<16xi32>
      %gather3A_256 = tpu.vector_load_idx %arg9[%add3A_255] : memref<19200xi32, #tpu.memory_space<vmem>>[vector<16xi32>], vector<16xi32>,
      %add3A_257 = arith.constant 3 : i32
      %add3A_258 = vector.broadcast %add3A_257 : i32 to vector<16xi32>
      %add3A_259 = arith.addi %add3A_234, %add3A_258 : vector<16xi32>
      %add3A_260 = arith.constant 2 : i32
      %add3A_261 = vector.broadcast %add3A_260 : i32 to vector<16xi32>
      %add3A_262 = arith.addi %add3A_259, %add3A_261 : vector<16xi32>
      %gather3A_263 = tpu.vector_load_idx %arg9[%add3A_262] : memref<19200xi32, #tpu.memory_space<vmem>>[vector<16xi32>], vector<16xi32>,
      %add3A_264 = arith.constant 6 : i32
      %add3A_265 = vector.broadcast %add3A_264 : i32 to vector<16xi32>
      %add3A_266 = arith.addi %add3A_234, %add3A_265 : vector<16xi32>
      %add3A_267 = arith.constant 2 : i32
      %add3A_268 = vector.broadcast %add3A_267 : i32 to vector<16xi32>
      %add3A_269 = arith.addi %add3A_266, %add3A_268 : vector<16xi32>
      %gather3A_270 = tpu.vector_load_idx %arg9[%add3A_269] : memref<19200xi32, #tpu.memory_space<vmem>>[vector<16xi32>], vector<16xi32>,
      %add3A_271 = arith.constant 9 : i32
      %add3A_272 = vector.broadcast %add3A_271 : i32 to vector<16xi32>
      %add3A_273 = arith.addi %add3A_234, %add3A_272 : vector<16xi32>
      %add3A_274 = arith.constant 2 : i32
      %add3A_275 = vector.broadcast %add3A_274 : i32 to vector<16xi32>
      %add3A_276 = arith.addi %add3A_273, %add3A_275 : vector<16xi32>
      %gather3A_277 = tpu.vector_load_idx %arg9[%add3A_276] : memref<19200xi32, #tpu.memory_space<vmem>>[vector<16xi32>], vector<16xi32>,
      %gather3A_278 = tpu.vector_load_idx %arg8[%gather3A_256] : memref<100000xf32, #tpu.memory_space<vmem>>[vector<16xi32>], vector<16xf32>,
      %gather3A_279 = tpu.vector_load_idx %arg8[%gather3A_263] : memref<100000xf32, #tpu.memory_space<vmem>>[vector<16xi32>], vector<16xf32>,
      %gather3A_280 = tpu.vector_load_idx %arg8[%gather3A_270] : memref<100000xf32, #tpu.memory_space<vmem>>[vector<16xi32>], vector<16xf32>,
      %gather3A_281 = tpu.vector_load_idx %arg8[%gather3A_277] : memref<100000xf32, #tpu.memory_space<vmem>>[vector<16xi32>], vector<16xf32>,
      %ne3A = arith.constant 3 : i32
      %ne3A_282 = vector.broadcast %ne3A : i32 to vector<16xi32>
      %ne3A_283 = arith.cmpi ne, %gather3A, %ne3A_282 : vector<16xi32>
      %select_n3A = arith.select %ne3A_283, %broadcast_in_dim3A_86, %broadcast_in_dim3A_84 : vector<16xi1>, vector<16xf32>
      %mul3A_284 = arith.mulf %scan3A_227, %select_n3A : vector<16xf32>
      %mul3A_285 = arith.mulf %gather3A_278, %mul3A_284 : vector<16xf32>
      %eq3A_286 = arith.constant 0 : i32
      %eq3A_287 = vector.broadcast %eq3A_286 : i32 to vector<16xi32>
      %eq3A_288 = arith.cmpi eq, %gather3A, %eq3A_287 : vector<16xi32>
      %select_n3A_289 = arith.select %eq3A_288, %mul3A_285, %broadcast_in_dim3A_84 : vector<16xi1>, vector<16xf32>
      %add3A_290 = arith.addf %scan3A_228, %select_n3A_289 : vector<16xf32>
      %sub3A_291 = arith.subf %mul3A_285, %select_n3A_289 : vector<16xf32>
      %add3A_292 = arith.addf %scan3A_229, %sub3A_291 : vector<16xf32>
      %add3A_293 = arith.addf %scan3A_230, %mul3A_284 : vector<16xf32>
      %ne3A_294 = arith.constant 3 : i32
      %ne3A_295 = vector.broadcast %ne3A_294 : i32 to vector<16xi32>
      %ne3A_296 = arith.cmpi ne, %gather3A_241, %ne3A_295 : vector<16xi32>
      %select_n3A_297 = arith.select %ne3A_296, %broadcast_in_dim3A_86, %broadcast_in_dim3A_84 : vector<16xi1>, vector<16xf32>
      %mul3A_298 = arith.mulf %mul3A_284, %select_n3A_297 : vector<16xf32>
      %mul3A_299 = arith.mulf %gather3A_279, %mul3A_298 : vector<16xf32>
      %eq3A_300 = arith.constant 0 : i32
      %eq3A_301 = vector.broadcast %eq3A_300 : i32 to vector<16xi32>
      %eq3A_302 = arith.cmpi eq, %gather3A_241, %eq3A_301 : vector<16xi32>
      %select_n3A_303 = arith.select %eq3A_302, %mul3A_299, %broadcast_in_dim3A_84 : vector<16xi1>, vector<16xf32>
      %add3A_304 = arith.addf %add3A_290, %select_n3A_303 : vector<16xf32>
      %sub3A_305 = arith.subf %mul3A_299, %select_n3A_303 : vector<16xf32>
      %add3A_306 = arith.addf %add3A_292, %sub3A_305 : vector<16xf32>
      %add3A_307 = arith.addf %add3A_293, %mul3A_298 : vector<16xf32>
      %ne3A_308 = arith.constant 3 : i32
      %ne3A_309 = vector.broadcast %ne3A_308 : i32 to vector<16xi32>
      %ne3A_310 = arith.cmpi ne, %gather3A_245, %ne3A_309 : vector<16xi32>
      %select_n3A_311 = arith.select %ne3A_310, %broadcast_in_dim3A_86, %broadcast_in_dim3A_84 : vector<16xi1>, vector<16xf32>
      %mul3A_312 = arith.mulf %mul3A_298, %select_n3A_311 : vector<16xf32>
      %mul3A_313 = arith.mulf %gather3A_280, %mul3A_312 : vector<16xf32>
      %eq3A_314 = arith.constant 0 : i32
      %eq3A_315 = vector.broadcast %eq3A_314 : i32 to vector<16xi32>
      %eq3A_316 = arith.cmpi eq, %gather3A_245, %eq3A_315 : vector<16xi32>
      %select_n3A_317 = arith.select %eq3A_316, %mul3A_313, %broadcast_in_dim3A_84 : vector<16xi1>, vector<16xf32>
      %add3A_318 = arith.addf %add3A_304, %select_n3A_317 : vector<16xf32>
      %sub3A_319 = arith.subf %mul3A_313, %select_n3A_317 : vector<16xf32>
      %add3A_320 = arith.addf %add3A_306, %sub3A_319 : vector<16xf32>
      %add3A_321 = arith.addf %add3A_307, %mul3A_312 : vector<16xf32>
      %ne3A_322 = arith.constant 3 : i32
      %ne3A_323 = vector.broadcast %ne3A_322 : i32 to vector<16xi32>
      %ne3A_324 = arith.cmpi ne, %gather3A_249, %ne3A_323 : vector<16xi32>
      %select_n3A_325 = arith.select %ne3A_324, %broadcast_in_dim3A_86, %broadcast_in_dim3A_84 : vector<16xi1>, vector<16xf32>
      %mul3A_326 = arith.mulf %mul3A_312, %select_n3A_325 : vector<16xf32>
      %mul3A_327 = arith.mulf %gather3A_281, %mul3A_326 : vector<16xf32>
      %eq3A_328 = arith.constant 0 : i32
      %eq3A_329 = vector.broadcast %eq3A_328 : i32 to vector<16xi32>
      %eq3A_330 = arith.cmpi eq, %gather3A_249, %eq3A_329 : vector<16xi32>
      %select_n3A_331 = arith.select %eq3A_330, %mul3A_327, %broadcast_in_dim3A_84 : vector<16xi1>, vector<16xf32>
      %add3A_332 = arith.addf %add3A_318, %select_n3A_331 : vector<16xf32>
      %sub3A_333 = arith.subf %mul3A_327, %select_n3A_331 : vector<16xf32>
      %add3A_334 = arith.addf %add3A_320, %sub3A_333 : vector<16xf32>
      %add3A_335 = arith.addf %add3A_321, %mul3A_326 : vector<16xf32>
      scf.yield %mul3A_326, %add3A_332, %add3A_334, %add3A_335 : vector<16xf32>, vector<16xf32>, vector<16xf32>, vector<16xf32>
    }
    %scan3A_97 = arith.constant 50 : i32
    %max3A = arith.maximumf %scan3A_96#1, %scan3A_96#2 : vector<16xf32>
    %sub3A = arith.subf %scan3A_96#1, %max3A : vector<16xf32>
    %exp3A = math.exp %sub3A : vector<16xf32>
    %sub3A_98 = arith.subf %scan3A_96#2, %max3A : vector<16xf32>
    %exp3A_99 = math.exp %sub3A_98 : vector<16xf32>
    %add3A_100 = arith.addf %exp3A, %exp3A_99 : vector<16xf32>
    %div3A = arith.divf %exp3A, %add3A_100 : vector<16xf32>
    %div3A_101 = arith.divf %exp3A_99, %add3A_100 : vector<16xf32>
    %mul3A_102 = arith.mulf %div3A, %scan3A_96#3 : vector<16xf32>
    %mul3A_103 = arith.mulf %div3A_101, %scan3A_96#3 : vector<16xf32>
    %add3A_104 = arith.addf %mul3A_102, %mul3A_103 : vector<16xf32>
    %div3A_105 = arith.divf %mul3A_103, %add3A_104 : vector<16xf32>
    %mul3A_106 = arith.mulf %mul3A_103, %mul3A_102 : vector<16xf32>
    %mul3A_107 = arith.mulf %add3A_104, %add3A_104 : vector<16xf32>
    %add3A_108 = arith.constant 1.000000e+00 : f32
    %add3A_109 = vector.broadcast %add3A_108 : f32 to vector<16xf32>
    %add3A_110 = arith.addf %add3A_104, %add3A_109 : vector<16xf32>
    %mul3A_111 = arith.mulf %mul3A_107, %add3A_110 : vector<16xf32>
    %div3A_112 = arith.divf %mul3A_106, %mul3A_111 : vector<16xf32>
    %bitcast3A = vector.bitcast %div3A_112 : vector<16xf32> to vector<16xi32>
    %broadcast_in_dim3A_113 = arith.constant 1597463007 : i32
    %broadcast_in_dim3A_114 = vector.broadcast %broadcast_in_dim3A_113 : i32 to vector<16xi32>
    %broadcast_in_dim3A_115 = arith.constant 1 : i32
    %broadcast_in_dim3A_116 = vector.broadcast %broadcast_in_dim3A_115 : i32 to vector<16xi32>
    %shift_right_logical3A = arith.shrui %bitcast3A, %broadcast_in_dim3A_116 : vector<16xi32>
    %sub3A_117 = arith.subi %broadcast_in_dim3A_114, %shift_right_logical3A : vector<16xi32>
    %bitcast3A_118 = vector.bitcast %sub3A_117 : vector<16xi32> to vector<16xf32>
    %mul3A_119 = arith.constant 5.000000e-01 : f32
    %mul3A_120 = vector.broadcast %mul3A_119 : f32 to vector<16xf32>
    %mul3A_121 = arith.mulf %mul3A_120, %div3A_112 : vector<16xf32>
    %mul3A_122 = arith.mulf %mul3A_121, %bitcast3A_118 : vector<16xf32>
    %mul3A_123 = arith.mulf %mul3A_122, %bitcast3A_118 : vector<16xf32>
    %sub3A_124 = arith.constant 1.500000e+00 : f32
    %sub3A_125 = vector.broadcast %sub3A_124 : f32 to vector<16xf32>
    %sub3A_126 = arith.subf %sub3A_125, %mul3A_123 : vector<16xf32>
    %mul3A_127 = arith.mulf %bitcast3A_118, %sub3A_126 : vector<16xf32>
    %mul3A_128 = arith.mulf %mul3A_121, %mul3A_127 : vector<16xf32>
    %mul3A_129 = arith.mulf %mul3A_128, %mul3A_127 : vector<16xf32>
    %sub3A_130 = arith.constant 1.500000e+00 : f32
    %sub3A_131 = vector.broadcast %sub3A_130 : f32 to vector<16xf32>
    %sub3A_132 = arith.subf %sub3A_131, %mul3A_129 : vector<16xf32>
    %mul3A_133 = arith.mulf %mul3A_127, %sub3A_132 : vector<16xf32>
    %mul3A_134 = arith.mulf %mul3A_121, %mul3A_133 : vector<16xf32>
    %mul3A_135 = arith.mulf %mul3A_134, %mul3A_133 : vector<16xf32>
    %sub3A_136 = arith.constant 1.500000e+00 : f32
    %sub3A_137 = vector.broadcast %sub3A_136 : f32 to vector<16xf32>
    %sub3A_138 = arith.subf %sub3A_137, %mul3A_135 : vector<16xf32>
    %mul3A_139 = arith.mulf %mul3A_133, %sub3A_138 : vector<16xf32>
    %mul3A_140 = arith.mulf %div3A_112, %mul3A_139 : vector<16xf32>
    %mul3A_141 = arith.constant 2 : i32
    %mul3A_142 = vector.broadcast %mul3A_141 : i32 to vector<16xi32>
    %mul3A_143 = arith.muli %mul3A_142, %iota3A : vector<16xi32>
    %add3A_144 = arith.constant 0 : i32
    %add3A_145 = vector.broadcast %add3A_144 : i32 to vector<16xi32>
    %add3A_146 = arith.addi %mul3A_143, %add3A_145 : vector<16xi32>
    %add3A_147 = arith.constant 1 : i32
    %add3A_148 = vector.broadcast %add3A_147 : i32 to vector<16xi32>
    %add3A_149 = arith.addi %add3A_146, %add3A_148 : vector<16xi32>
    tpu.vector_store_idx %arg10[%add3A_146], %div3A : memref<64xf32, #tpu.memory_space<vmem>>[vector<16xi32>], vector<16xf32>,
    tpu.vector_store_idx %arg10[%add3A_149], %div3A_101 : memref<64xf32, #tpu.memory_space<vmem>>[vector<16xi32>], vector<16xf32>,
    tpu.vector_store_idx %arg11[%add3A_146], %div3A_105 : memref<64xf32, #tpu.memory_space<vmem>>[vector<16xi32>], vector<16xf32>,
    tpu.vector_store_idx %arg11[%add3A_149], %mul3A_140 : memref<64xf32, #tpu.memory_space<vmem>>[vector<16xi32>], vector<16xf32>,
    tpu.vector_store_idx %arg12[%add3A_146], %mul3A_102 : memref<64xf32, #tpu.memory_space<vmem>>[vector<16xi32>], vector<16xf32>,
    tpu.vector_store_idx %arg12[%add3A_149], %mul3A_103 : memref<64xf32, #tpu.memory_space<vmem>>[vector<16xi32>], vector<16xf32>,
    %add3A_150 = arith.constant 16 : i32
    %add3A_151 = vector.broadcast %add3A_150 : i32 to vector<16xi32>
    %add3A_152 = arith.addi %iota3A, %add3A_151 : vector<16xi32>
    %mul3A_153 = arith.constant 600 : i32
    %mul3A_154 = vector.broadcast %mul3A_153 : i32 to vector<16xi32>
    %mul3A_155 = arith.muli %add3A_152, %mul3A_154 : vector<16xi32>
    %scan3A_156 = arith.constant 0 : i32
    %scan3A_157 = arith.constant 50 : i32
    %scan3A_158 = arith.addi %scan3A_156, %scan3A_157 : i32
    %scan3A_159 = arith.constant 1 : i32
    %scan3A_160:4 = scf.for %scan3A_226 = %scan3A_156 to %scan3A_158 step %scan3A_159 iter_args(%scan3A_227 = %broadcast_in_dim3A_86, %scan3A_228 = %broadcast_in_dim3A_84, %scan3A_229 = %broadcast_in_dim3A_84, %scan3A_230 = %broadcast_in_dim3A_84) -> (vector<16xf32>, vector<16xf32>, vector<16xf32>, vector<16xf32>)  : i32 {
      %mul3A_231 = arith.constant 12 : i32
      %mul3A_232 = arith.muli %mul3A_231, %scan3A_226 : i32
      %add3A_233 = vector.broadcast %mul3A_232 : i32 to vector<16xi32>
      %add3A_234 = arith.addi %mul3A_155, %add3A_233 : vector<16xi32>
      %add3A_235 = arith.constant 0 : i32
      %add3A_236 = vector.broadcast %add3A_235 : i32 to vector<16xi32>
      %add3A_237 = arith.addi %add3A_234, %add3A_236 : vector<16xi32>
      %gather3A = tpu.vector_load_idx %arg9[%add3A_237] : memref<19200xi32, #tpu.memory_space<vmem>>[vector<16xi32>], vector<16xi32>,
      %add3A_238 = arith.constant 3 : i32
      %add3A_239 = vector.broadcast %add3A_238 : i32 to vector<16xi32>
      %add3A_240 = arith.addi %add3A_234, %add3A_239 : vector<16xi32>
      %gather3A_241 = tpu.vector_load_idx %arg9[%add3A_240] : memref<19200xi32, #tpu.memory_space<vmem>>[vector<16xi32>], vector<16xi32>,
      %add3A_242 = arith.constant 6 : i32
      %add3A_243 = vector.broadcast %add3A_242 : i32 to vector<16xi32>
      %add3A_244 = arith.addi %add3A_234, %add3A_243 : vector<16xi32>
      %gather3A_245 = tpu.vector_load_idx %arg9[%add3A_244] : memref<19200xi32, #tpu.memory_space<vmem>>[vector<16xi32>], vector<16xi32>,
      %add3A_246 = arith.constant 9 : i32
      %add3A_247 = vector.broadcast %add3A_246 : i32 to vector<16xi32>
      %add3A_248 = arith.addi %add3A_234, %add3A_247 : vector<16xi32>
      %gather3A_249 = tpu.vector_load_idx %arg9[%add3A_248] : memref<19200xi32, #tpu.memory_space<vmem>>[vector<16xi32>], vector<16xi32>,
      %add3A_250 = arith.constant 0 : i32
      %add3A_251 = vector.broadcast %add3A_250 : i32 to vector<16xi32>
      %add3A_252 = arith.addi %add3A_234, %add3A_251 : vector<16xi32>
      %add3A_253 = arith.constant 2 : i32
      %add3A_254 = vector.broadcast %add3A_253 : i32 to vector<16xi32>
      %add3A_255 = arith.addi %add3A_252, %add3A_254 : vector<16xi32>
      %gather3A_256 = tpu.vector_load_idx %arg9[%add3A_255] : memref<19200xi32, #tpu.memory_space<vmem>>[vector<16xi32>], vector<16xi32>,
      %add3A_257 = arith.constant 3 : i32
      %add3A_258 = vector.broadcast %add3A_257 : i32 to vector<16xi32>
      %add3A_259 = arith.addi %add3A_234, %add3A_258 : vector<16xi32>
      %add3A_260 = arith.constant 2 : i32
      %add3A_261 = vector.broadcast %add3A_260 : i32 to vector<16xi32>
      %add3A_262 = arith.addi %add3A_259, %add3A_261 : vector<16xi32>
      %gather3A_263 = tpu.vector_load_idx %arg9[%add3A_262] : memref<19200xi32, #tpu.memory_space<vmem>>[vector<16xi32>], vector<16xi32>,
      %add3A_264 = arith.constant 6 : i32
      %add3A_265 = vector.broadcast %add3A_264 : i32 to vector<16xi32>
      %add3A_266 = arith.addi %add3A_234, %add3A_265 : vector<16xi32>
      %add3A_267 = arith.constant 2 : i32
      %add3A_268 = vector.broadcast %add3A_267 : i32 to vector<16xi32>
      %add3A_269 = arith.addi %add3A_266, %add3A_268 : vector<16xi32>
      %gather3A_270 = tpu.vector_load_idx %arg9[%add3A_269] : memref<19200xi32, #tpu.memory_space<vmem>>[vector<16xi32>], vector<16xi32>,
      %add3A_271 = arith.constant 9 : i32
      %add3A_272 = vector.broadcast %add3A_271 : i32 to vector<16xi32>
      %add3A_273 = arith.addi %add3A_234, %add3A_272 : vector<16xi32>
      %add3A_274 = arith.constant 2 : i32
      %add3A_275 = vector.broadcast %add3A_274 : i32 to vector<16xi32>
      %add3A_276 = arith.addi %add3A_273, %add3A_275 : vector<16xi32>
      %gather3A_277 = tpu.vector_load_idx %arg9[%add3A_276] : memref<19200xi32, #tpu.memory_space<vmem>>[vector<16xi32>], vector<16xi32>,
      %gather3A_278 = tpu.vector_load_idx %arg8[%gather3A_256] : memref<100000xf32, #tpu.memory_space<vmem>>[vector<16xi32>], vector<16xf32>,
      %gather3A_279 = tpu.vector_load_idx %arg8[%gather3A_263] : memref<100000xf32, #tpu.memory_space<vmem>>[vector<16xi32>], vector<16xf32>,
      %gather3A_280 = tpu.vector_load_idx %arg8[%gather3A_270] : memref<100000xf32, #tpu.memory_space<vmem>>[vector<16xi32>], vector<16xf32>,
      %gather3A_281 = tpu.vector_load_idx %arg8[%gather3A_277] : memref<100000xf32, #tpu.memory_space<vmem>>[vector<16xi32>], vector<16xf32>,
      %ne3A = arith.constant 3 : i32
      %ne3A_282 = vector.broadcast %ne3A : i32 to vector<16xi32>
      %ne3A_283 = arith.cmpi ne, %gather3A, %ne3A_282 : vector<16xi32>
      %select_n3A = arith.select %ne3A_283, %broadcast_in_dim3A_86, %broadcast_in_dim3A_84 : vector<16xi1>, vector<16xf32>
      %mul3A_284 = arith.mulf %scan3A_227, %select_n3A : vector<16xf32>
      %mul3A_285 = arith.mulf %gather3A_278, %mul3A_284 : vector<16xf32>
      %eq3A_286 = arith.constant 0 : i32
      %eq3A_287 = vector.broadcast %eq3A_286 : i32 to vector<16xi32>
      %eq3A_288 = arith.cmpi eq, %gather3A, %eq3A_287 : vector<16xi32>
      %select_n3A_289 = arith.select %eq3A_288, %mul3A_285, %broadcast_in_dim3A_84 : vector<16xi1>, vector<16xf32>
      %add3A_290 = arith.addf %scan3A_228, %select_n3A_289 : vector<16xf32>
      %sub3A_291 = arith.subf %mul3A_285, %select_n3A_289 : vector<16xf32>
      %add3A_292 = arith.addf %scan3A_229, %sub3A_291 : vector<16xf32>
      %add3A_293 = arith.addf %scan3A_230, %mul3A_284 : vector<16xf32>
      %ne3A_294 = arith.constant 3 : i32
      %ne3A_295 = vector.broadcast %ne3A_294 : i32 to vector<16xi32>
      %ne3A_296 = arith.cmpi ne, %gather3A_241, %ne3A_295 : vector<16xi32>
      %select_n3A_297 = arith.select %ne3A_296, %broadcast_in_dim3A_86, %broadcast_in_dim3A_84 : vector<16xi1>, vector<16xf32>
      %mul3A_298 = arith.mulf %mul3A_284, %select_n3A_297 : vector<16xf32>
      %mul3A_299 = arith.mulf %gather3A_279, %mul3A_298 : vector<16xf32>
      %eq3A_300 = arith.constant 0 : i32
      %eq3A_301 = vector.broadcast %eq3A_300 : i32 to vector<16xi32>
      %eq3A_302 = arith.cmpi eq, %gather3A_241, %eq3A_301 : vector<16xi32>
      %select_n3A_303 = arith.select %eq3A_302, %mul3A_299, %broadcast_in_dim3A_84 : vector<16xi1>, vector<16xf32>
      %add3A_304 = arith.addf %add3A_290, %select_n3A_303 : vector<16xf32>
      %sub3A_305 = arith.subf %mul3A_299, %select_n3A_303 : vector<16xf32>
      %add3A_306 = arith.addf %add3A_292, %sub3A_305 : vector<16xf32>
      %add3A_307 = arith.addf %add3A_293, %mul3A_298 : vector<16xf32>
      %ne3A_308 = arith.constant 3 : i32
      %ne3A_309 = vector.broadcast %ne3A_308 : i32 to vector<16xi32>
      %ne3A_310 = arith.cmpi ne, %gather3A_245, %ne3A_309 : vector<16xi32>
      %select_n3A_311 = arith.select %ne3A_310, %broadcast_in_dim3A_86, %broadcast_in_dim3A_84 : vector<16xi1>, vector<16xf32>
      %mul3A_312 = arith.mulf %mul3A_298, %select_n3A_311 : vector<16xf32>
      %mul3A_313 = arith.mulf %gather3A_280, %mul3A_312 : vector<16xf32>
      %eq3A_314 = arith.constant 0 : i32
      %eq3A_315 = vector.broadcast %eq3A_314 : i32 to vector<16xi32>
      %eq3A_316 = arith.cmpi eq, %gather3A_245, %eq3A_315 : vector<16xi32>
      %select_n3A_317 = arith.select %eq3A_316, %mul3A_313, %broadcast_in_dim3A_84 : vector<16xi1>, vector<16xf32>
      %add3A_318 = arith.addf %add3A_304, %select_n3A_317 : vector<16xf32>
      %sub3A_319 = arith.subf %mul3A_313, %select_n3A_317 : vector<16xf32>
      %add3A_320 = arith.addf %add3A_306, %sub3A_319 : vector<16xf32>
      %add3A_321 = arith.addf %add3A_307, %mul3A_312 : vector<16xf32>
      %ne3A_322 = arith.constant 3 : i32
      %ne3A_323 = vector.broadcast %ne3A_322 : i32 to vector<16xi32>
      %ne3A_324 = arith.cmpi ne, %gather3A_249, %ne3A_323 : vector<16xi32>
      %select_n3A_325 = arith.select %ne3A_324, %broadcast_in_dim3A_86, %broadcast_in_dim3A_84 : vector<16xi1>, vector<16xf32>
      %mul3A_326 = arith.mulf %mul3A_312, %select_n3A_325 : vector<16xf32>
      %mul3A_327 = arith.mulf %gather3A_281, %mul3A_326 : vector<16xf32>
      %eq3A_328 = arith.constant 0 : i32
      %eq3A_329 = vector.broadcast %eq3A_328 : i32 to vector<16xi32>
      %eq3A_330 = arith.cmpi eq, %gather3A_249, %eq3A_329 : vector<16xi32>
      %select_n3A_331 = arith.select %eq3A_330, %mul3A_327, %broadcast_in_dim3A_84 : vector<16xi1>, vector<16xf32>
      %add3A_332 = arith.addf %add3A_318, %select_n3A_331 : vector<16xf32>
      %sub3A_333 = arith.subf %mul3A_327, %select_n3A_331 : vector<16xf32>
      %add3A_334 = arith.addf %add3A_320, %sub3A_333 : vector<16xf32>
      %add3A_335 = arith.addf %add3A_321, %mul3A_326 : vector<16xf32>
      scf.yield %mul3A_326, %add3A_332, %add3A_334, %add3A_335 : vector<16xf32>, vector<16xf32>, vector<16xf32>, vector<16xf32>
    }
    %scan3A_161 = arith.constant 50 : i32
    %max3A_162 = arith.maximumf %scan3A_160#1, %scan3A_160#2 : vector<16xf32>
    %sub3A_163 = arith.subf %scan3A_160#1, %max3A_162 : vector<16xf32>
    %exp3A_164 = math.exp %sub3A_163 : vector<16xf32>
    %sub3A_165 = arith.subf %scan3A_160#2, %max3A_162 : vector<16xf32>
    %exp3A_166 = math.exp %sub3A_165 : vector<16xf32>
    %add3A_167 = arith.addf %exp3A_164, %exp3A_166 : vector<16xf32>
    %div3A_168 = arith.divf %exp3A_164, %add3A_167 : vector<16xf32>
    %div3A_169 = arith.divf %exp3A_166, %add3A_167 : vector<16xf32>
    %mul3A_170 = arith.mulf %div3A_168, %scan3A_160#3 : vector<16xf32>
    %mul3A_171 = arith.mulf %div3A_169, %scan3A_160#3 : vector<16xf32>
    %add3A_172 = arith.addf %mul3A_170, %mul3A_171 : vector<16xf32>
    %div3A_173 = arith.divf %mul3A_171, %add3A_172 : vector<16xf32>
    %mul3A_174 = arith.mulf %mul3A_171, %mul3A_170 : vector<16xf32>
    %mul3A_175 = arith.mulf %add3A_172, %add3A_172 : vector<16xf32>
    %add3A_176 = arith.constant 1.000000e+00 : f32
    %add3A_177 = vector.broadcast %add3A_176 : f32 to vector<16xf32>
    %add3A_178 = arith.addf %add3A_172, %add3A_177 : vector<16xf32>
    %mul3A_179 = arith.mulf %mul3A_175, %add3A_178 : vector<16xf32>
    %div3A_180 = arith.divf %mul3A_174, %mul3A_179 : vector<16xf32>
    %bitcast3A_181 = vector.bitcast %div3A_180 : vector<16xf32> to vector<16xi32>
    %broadcast_in_dim3A_182 = arith.constant 1597463007 : i32
    %broadcast_in_dim3A_183 = vector.broadcast %broadcast_in_dim3A_182 : i32 to vector<16xi32>
    %broadcast_in_dim3A_184 = arith.constant 1 : i32
    %broadcast_in_dim3A_185 = vector.broadcast %broadcast_in_dim3A_184 : i32 to vector<16xi32>
    %shift_right_logical3A_186 = arith.shrui %bitcast3A_181, %broadcast_in_dim3A_185 : vector<16xi32>
    %sub3A_187 = arith.subi %broadcast_in_dim3A_183, %shift_right_logical3A_186 : vector<16xi32>
    %bitcast3A_188 = vector.bitcast %sub3A_187 : vector<16xi32> to vector<16xf32>
    %mul3A_189 = arith.constant 5.000000e-01 : f32
    %mul3A_190 = vector.broadcast %mul3A_189 : f32 to vector<16xf32>
    %mul3A_191 = arith.mulf %mul3A_190, %div3A_180 : vector<16xf32>
    %mul3A_192 = arith.mulf %mul3A_191, %bitcast3A_188 : vector<16xf32>
    %mul3A_193 = arith.mulf %mul3A_192, %bitcast3A_188 : vector<16xf32>
    %sub3A_194 = arith.constant 1.500000e+00 : f32
    %sub3A_195 = vector.broadcast %sub3A_194 : f32 to vector<16xf32>
    %sub3A_196 = arith.subf %sub3A_195, %mul3A_193 : vector<16xf32>
    %mul3A_197 = arith.mulf %bitcast3A_188, %sub3A_196 : vector<16xf32>
    %mul3A_198 = arith.mulf %mul3A_191, %mul3A_197 : vector<16xf32>
    %mul3A_199 = arith.mulf %mul3A_198, %mul3A_197 : vector<16xf32>
    %sub3A_200 = arith.constant 1.500000e+00 : f32
    %sub3A_201 = vector.broadcast %sub3A_200 : f32 to vector<16xf32>
    %sub3A_202 = arith.subf %sub3A_201, %mul3A_199 : vector<16xf32>
    %mul3A_203 = arith.mulf %mul3A_197, %sub3A_202 : vector<16xf32>
    %mul3A_204 = arith.mulf %mul3A_191, %mul3A_203 : vector<16xf32>
    %mul3A_205 = arith.mulf %mul3A_204, %mul3A_203 : vector<16xf32>
    %sub3A_206 = arith.constant 1.500000e+00 : f32
    %sub3A_207 = vector.broadcast %sub3A_206 : f32 to vector<16xf32>
    %sub3A_208 = arith.subf %sub3A_207, %mul3A_205 : vector<16xf32>
    %mul3A_209 = arith.mulf %mul3A_203, %sub3A_208 : vector<16xf32>
    %mul3A_210 = arith.mulf %div3A_180, %mul3A_209 : vector<16xf32>
    %mul3A_211 = arith.constant 2 : i32
    %mul3A_212 = vector.broadcast %mul3A_211 : i32 to vector<16xi32>
    %mul3A_213 = arith.muli %mul3A_212, %iota3A : vector<16xi32>
    %add3A_214 = arith.constant 32 : i32
    %add3A_215 = vector.broadcast %add3A_214 : i32 to vector<16xi32>
    %add3A_216 = arith.addi %mul3A_213, %add3A_215 : vector<16xi32>
    %add3A_217 = arith.constant 1 : i32
    %add3A_218 = vector.broadcast %add3A_217 : i32 to vector<16xi32>
    %add3A_219 = arith.addi %add3A_216, %add3A_218 : vector<16xi32>
    tpu.vector_store_idx %arg10[%add3A_216], %div3A_168 : memref<64xf32, #tpu.memory_space<vmem>>[vector<16xi32>], vector<16xf32>,
    tpu.vector_store_idx %arg10[%add3A_219], %div3A_169 : memref<64xf32, #tpu.memory_space<vmem>>[vector<16xi32>], vector<16xf32>,
    tpu.vector_store_idx %arg11[%add3A_216], %div3A_173 : memref<64xf32, #tpu.memory_space<vmem>>[vector<16xi32>], vector<16xf32>,
    tpu.vector_store_idx %arg11[%add3A_219], %mul3A_210 : memref<64xf32, #tpu.memory_space<vmem>>[vector<16xi32>], vector<16xf32>,
    tpu.vector_store_idx %arg12[%add3A_216], %mul3A_170 : memref<64xf32, #tpu.memory_space<vmem>>[vector<16xi32>], vector<16xf32>,
    tpu.vector_store_idx %arg12[%add3A_219], %mul3A_171 : memref<64xf32, #tpu.memory_space<vmem>>[vector<16xi32>], vector<16xf32>,
    %mul3A_220 = arith.constant 64 : i32
    %mul3A_221 = arith.muli %add3A, %mul3A_220 : i32
    "tpu.region"() ({
      %run_scoped3A = tpu.sem_alloc : memref<!tpu.dma_semaphore, #tpu.memory_space<semaphore_mem>>
      %dma_start3A_226 = tpu.memref_slice %arg4[%mul3A_221] : memref<2048xf32, #tpu.memory_space<hbm>> -> memref<64xf32, #tpu.memory_space<hbm>>
      %dma_start3A_227 = tpu.memref_slice %arg4[%mul3A_221] : memref<2048xf32, #tpu.memory_space<hbm>> -> memref<64xf32, #tpu.memory_space<hbm>>
      tpu.enqueue_dma source(%arg10 : memref<64xf32, #tpu.memory_space<vmem>>) target(%dma_start3A_227 : memref<64xf32, #tpu.memory_space<hbm>>) target_semaphore(%run_scoped3A : memref<!tpu.dma_semaphore, #tpu.memory_space<semaphore_mem>>)
      %dma_wait3A_228 = tpu.memref_slice %arg4[%mul3A_221] : memref<2048xf32, #tpu.memory_space<hbm>> -> memref<64xf32, #tpu.memory_space<hbm>>
      %dma_wait3A_229 = tpu.memref_slice %arg4[%mul3A_221] : memref<2048xf32, #tpu.memory_space<hbm>> -> memref<64xf32, #tpu.memory_space<hbm>>
      tpu.wait_dma2 semaphore(%run_scoped3A : memref<!tpu.dma_semaphore, #tpu.memory_space<semaphore_mem>>) src(%arg10 : memref<64xf32, #tpu.memory_space<vmem>>) dst(%dma_wait3A_229 : memref<64xf32, #tpu.memory_space<hbm>>)
      tpu.yield
    }) : () -> ()
    %mul3A_222 = arith.constant 64 : i32
    %mul3A_223 = arith.muli %add3A, %mul3A_222 : i32
    "tpu.region"() ({
      %run_scoped3A = tpu.sem_alloc : memref<!tpu.dma_semaphore, #tpu.memory_space<semaphore_mem>>
      %dma_start3A_226 = tpu.memref_slice %arg5[%mul3A_223] : memref<2048xf32, #tpu.memory_space<hbm>> -> memref<64xf32, #tpu.memory_space<hbm>>
      %dma_start3A_227 = tpu.memref_slice %arg5[%mul3A_223] : memref<2048xf32, #tpu.memory_space<hbm>> -> memref<64xf32, #tpu.memory_space<hbm>>
      tpu.enqueue_dma source(%arg11 : memref<64xf32, #tpu.memory_space<vmem>>) target(%dma_start3A_227 : memref<64xf32, #tpu.memory_space<hbm>>) target_semaphore(%run_scoped3A : memref<!tpu.dma_semaphore, #tpu.memory_space<semaphore_mem>>)
      %dma_wait3A_228 = tpu.memref_slice %arg5[%mul3A_223] : memref<2048xf32, #tpu.memory_space<hbm>> -> memref<64xf32, #tpu.memory_space<hbm>>
      %dma_wait3A_229 = tpu.memref_slice %arg5[%mul3A_223] : memref<2048xf32, #tpu.memory_space<hbm>> -> memref<64xf32, #tpu.memory_space<hbm>>
      tpu.wait_dma2 semaphore(%run_scoped3A : memref<!tpu.dma_semaphore, #tpu.memory_space<semaphore_mem>>) src(%arg11 : memref<64xf32, #tpu.memory_space<vmem>>) dst(%dma_wait3A_229 : memref<64xf32, #tpu.memory_space<hbm>>)
      tpu.yield
    }) : () -> ()
    %mul3A_224 = arith.constant 64 : i32
    %mul3A_225 = arith.muli %add3A, %mul3A_224 : i32
    "tpu.region"() ({
      %run_scoped3A = tpu.sem_alloc : memref<!tpu.dma_semaphore, #tpu.memory_space<semaphore_mem>>
      %dma_start3A_226 = tpu.memref_slice %arg6[%mul3A_225] : memref<2048xf32, #tpu.memory_space<hbm>> -> memref<64xf32, #tpu.memory_space<hbm>>
      %dma_start3A_227 = tpu.memref_slice %arg6[%mul3A_225] : memref<2048xf32, #tpu.memory_space<hbm>> -> memref<64xf32, #tpu.memory_space<hbm>>
      tpu.enqueue_dma source(%arg12 : memref<64xf32, #tpu.memory_space<vmem>>) target(%dma_start3A_227 : memref<64xf32, #tpu.memory_space<hbm>>) target_semaphore(%run_scoped3A : memref<!tpu.dma_semaphore, #tpu.memory_space<semaphore_mem>>)
      %dma_wait3A_228 = tpu.memref_slice %arg6[%mul3A_225] : memref<2048xf32, #tpu.memory_space<hbm>> -> memref<64xf32, #tpu.memory_space<hbm>>
      %dma_wait3A_229 = tpu.memref_slice %arg6[%mul3A_225] : memref<2048xf32, #tpu.memory_space<hbm>> -> memref<64xf32, #tpu.memory_space<hbm>>
      tpu.wait_dma2 semaphore(%run_scoped3A : memref<!tpu.dma_semaphore, #tpu.memory_space<semaphore_mem>>) src(%arg12 : memref<64xf32, #tpu.memory_space<vmem>>) dst(%dma_wait3A_229 : memref<64xf32, #tpu.memory_space<hbm>>)
      tpu.yield
    }) : () -> ()
    return
  }
}

</mosaic_0001>

<sc_bundles>
// kernel: kernel.3.cloned.1.call-start
scs
__scs_entry_jumppad:
0x0: {  	(pc) =	sbr.rel $0x88, $3  }
0x1: {  	(tag) =	ssettag $0x0;
	lr =	simm.s32 $0x1  }
0x2: {  	[smem:$0x3F9F] =	sst lr;
	_ =	strace $0xD0000000  }
0x3: {  	_ = 	snop  }
0x4: {  	_ = 	snop  }
0x5: {  	_ = 	snop  }
0x6: {  	_ = 	snop  }
0x7: {  	_ = 	snop  }
__scs_overlays_trampoline_lowered:
0x8: {  	[smem:$0x3FAE] =	sst s0  }
0x9: {  	[smem:$0x3FAF] =	sst s1  }
0xa: {  	[smem:$0x3FB0] =	sst s2  }
0xb: {  	[smem:$0x3FB1] =	sst s3  }
0xc: {  	[smem:$0x3FB2] =	sst s4  }
0xd: {  	[smem:$0x3FB3] =	sst s5  }
0xe: {  	[smem:$0x3FB4] =	sst s6  }
0xf: {  	[smem:$0x3FB5] =	sst s7  }
0x10: {  	[smem:$0x3FB6] =	sst s8  }
0x11: {  	[smem:$0x3FB7] =	sst s9;
	s0 =	simm.s32 @!p0 $0x0  }
0x12: {  	s1 =	sld [smem:$0x3F9D];
	s0 =	simm.s32 @p0 $0x1  }
0x13: {  	[smem:$0x3FB8] =	sst s0;
	s0 =	simm.s32 @!p1 $0x0  }
0x14: {  	s2 =	sld [smem:$0x3F9C];
	s0 =	simm.s32 @p1 $0x1  }
0x15: {  	[smem:$0x3FB9] =	sst s0;
	s0 =	simm.s32 @!p2 $0x0  }
0x16: {  	s3 =	sld [smem:$0x3FDB];
	s0 =	simm.s32 @p2 $0x1  }
0x17: {  	s4 =	simm.s32 $0x1BF5;
	[smem:$0x3FBB] =	sst s0  }
0x18: {  	s0 =	sld [smem:$0x3F9E];
	_ =	swait.ge [sflag:s4], $0x0  }
0x19: {  	s7 =	sld [smem:$0x3F9F]  }
0x1a: {  	s8 =	sadd.s32 $0xFFFFE003, lr  }
0x1b: {  	s9 =	sadd.s32 $0xFFFFFEF7, lr;
	s5 =	simm.s32 $0xFFFFFFFF;
	p2 =	slt.u32 s8, $0xFFFFF086  }
0x1c: {  	p1 =	slt.u32 s9, $0xF7A;
	s5 =	simm.s32 @!p2 $0x0  }
0x1d: {  	s5 =	simm.s32 @p1 $0x1;
	p0 =	seq.s32 s7, s2  }
0x1e: {  	s7 =	smul.u32 @!p0 $0xF7A, s2;
	p2 =	seq.s32 @!p0 s5, $0x0  }
0x1f: {  	s9 =	smul.u32 $0xF7A, s1;
	s8 =	simm.s32 @!p0 $0x1BF5;
	p2 =	por !p2, p0  }
0x20: {  	[sflag:s8] =	ssyncset.s32 @!p0 $0xFFFFF086;
	s6 =	sadd.s32 @!p0 s3, s7;
	s7 =	simm.s32 @!p0 $0x108  }
0x21: {  	s3 =	sadd.s32 s3, s9;
	s6 =	sadd.s32 @!p0 $0x88, s6;
	s7 =	simm.s32 @p2 $0x1082  }
0x22: {  	[simem:s7], [sflag:s8] =	dma.local @!p0 [hbm:s6], $0xF7A  }
0x23: {  	s9 =	sor.u32 $0xD0000000, s2;
	s6 =	simm.s32 $0x108;
	_ =	swait.ge @!p0 [sflag:s8], $0x0  }
0x24: {  	s3 =	sadd.s32 $0x88, s3;
	s6 =	simm.s32 @!p1 $0x1082;
	[sflag:s4] =	ssyncset.s32 $0xFFFFF086  }
0x25: {  	[simem:s6], [sflag:s4] =	dma.local [hbm:s3], $0xF7A  }
0x26: {  	[smem:$0x3F9F] =	sst s1;
	(tag) =	ssettag s2;
	_ =	strace s9  }
0x27: {  	s1 =	sld [smem:$0x3FAF]  }
0x28: {  	s2 =	sld [smem:$0x3FB0]  }
0x29: {  	s4 =	sld [smem:$0x3FB2]  }
0x2a: {  	p0 =	seq.s32 s5, $0x0;
	s5 =	sld [smem:$0x3FB3]  }
0x2b: {  	s6 =	sld [smem:$0x3FB4]  }
0x2c: {  	s7 =	sld [smem:$0x3FB5]  }
0x2d: {  	s3 =	simm.s32 $0x108;
	s8 =	sld [smem:$0x3FB6]  }
0x2e: {  	s3 =	simm.s32 @!p0 $0x1082;
	s9 =	sld [smem:$0x3FB7]  }
0x2f: {  	lr =	sadd.s32 s0, s3;
	s0 =	sld [smem:$0x3FAE]  }
0x30: {  	s3 =	sld [smem:$0x3FB1]  }
0x31: {  	[smem:$0x3FBA] =	sst s10  }
0x32: {  	s10 =	sld [smem:$0x3FB8];
	_ =	sdelay $0x3  }
0x33: {  	p0 =	seq.s32 s10, $0x1;
	s10 =	sld [smem:$0x3FBA];
	_ =	sdelay $0x3  }
0x34: {  	[smem:$0x3FBA] =	sst s10  }
0x35: {  	s10 =	sld [smem:$0x3FB9];
	_ =	sdelay $0x3  }
0x36: {  	p1 =	seq.s32 s10, $0x1;
	s10 =	sld [smem:$0x3FBA];
	_ =	sdelay $0x3  }
0x37: {  	[smem:$0x3FBA] =	sst s10  }
0x38: {  	s10 =	sld [smem:$0x3FBB]  }
0x39: {  	_ = 	snop;
	(pc) =	sbr.ind lr, $3  }
0x3a: {  	_ = 	snop  }
0x3b: {  	_ = 	snop  }
0x3c: {  	p2 =	seq.s32 s10, $0x1;
	s10 =	sld [smem:$0x3FBA]  }
0x3d: {  	_ =	shalt  }
0x3e: {  	_ =	shalt  }
0x3f: {  	_ =	shalt  }
0x40: {  	_ =	shalt  }
0x41: {  	_ =	shalt  }
0x42: {  	_ =	shalt  }
0x43: {  	_ =	shalt  }
0x44: {  	_ =	shalt  }
0x45: {  	_ =	shalt  }
0x46: {  	_ =	shalt  }
0x47: {  	_ =	shalt  }
0x48: {  	_ =	shalt  }
0x49: {  	_ =	shalt  }
0x4a: {  	_ =	shalt  }
0x4b: {  	_ =	shalt  }
0x4c: {  	_ =	shalt  }
0x4d: {  	_ =	shalt  }
0x4e: {  	_ =	shalt  }
0x4f: {  	_ =	shalt  }
0x50: {  	_ =	shalt  }
0x51: {  	_ =	shalt  }
0x52: {  	_ =	shalt  }
0x53: {  	_ =	shalt  }
0x54: {  	_ =	shalt  }
0x55: {  	_ =	shalt  }
0x56: {  	_ =	shalt  }
0x57: {  	_ =	shalt  }
0x58: {  	_ =	shalt  }
0x59: {  	_ =	shalt  }
0x5a: {  	_ =	shalt  }
0x5b: {  	_ =	shalt  }
0x5c: {  	_ =	shalt  }
0x5d: {  	_ =	shalt  }
0x5e: {  	_ =	shalt  }
0x5f: {  	_ =	shalt  }
0x60: {  	_ =	shalt  }
0x61: {  	_ =	shalt  }
0x62: {  	_ =	shalt  }
0x63: {  	_ =	shalt  }
0x64: {  	_ =	shalt  }
0x65: {  	_ =	shalt  }
0x66: {  	_ =	shalt  }
0x67: {  	_ =	shalt  }
0x68: {  	_ =	shalt  }
0x69: {  	_ =	shalt  }
0x6a: {  	_ =	shalt  }
0x6b: {  	_ =	shalt  }
0x6c: {  	_ =	shalt  }
0x6d: {  	_ =	shalt  }
0x6e: {  	_ =	shalt  }
0x6f: {  	_ =	shalt  }
0x70: {  	_ =	shalt  }
0x71: {  	_ =	shalt  }
0x72: {  	_ =	shalt  }
0x73: {  	_ =	shalt  }
0x74: {  	_ =	shalt  }
0x75: {  	_ =	shalt  }
0x76: {  	_ =	shalt  }
0x77: {  	_ =	shalt  }
0x78: {  	_ =	shalt  }
0x79: {  	_ =	shalt  }
0x7a: {  	_ =	shalt  }
0x7b: {  	_ =	shalt  }
0x7c: {  	_ =	shalt  }
0x7d: {  	_ =	shalt  }
0x7e: {  	_ =	shalt  }
0x7f: {  	_ =	shalt  }
0x80: {  	_ =	shalt  }
0x81: {  	_ =	shalt  }
0x82: {  	_ =	shalt  }
0x83: {  	_ =	shalt  }
0x84: {  	_ =	shalt  }
0x85: {  	_ =	shalt  }
0x86: {  	_ =	shalt  }
0x87: {  	_ =	shalt  }
.Lfunc_end0:
.L_simem_size_0:
called_computation_lowered:
.L_overlay_start_0:
0x88: {  	s2 =	sld [smem:$0x3FD9]  }
0x89: {  	s3 =	sld [smem:$0x3FFE];
	_ =	sdelay $0x1  }
0x8a: {  	s1 =	srdreg.scid  }
0x8b: {  	s0 =	sand.u32 $0x1, s1  }
0x8c: {  	s14 =	sshll.u32 s0, $0xA;
	s2 =	sadd.s32 s3, s2  }
0x8d: {  	s2 =	sadd.s32 s2, s14  }
0x8e: {  	[smem:$0x3FC6] =	sst s2  }
0x8f: {  	_ = 	snop  }
0x90: {  	s2 =	sld [smem:$0x3FD0];
	_ =	sdelay $0x2  }
0x91: {  	s4 =	simm.s32 $0xA;
	s5 =	simm.s32 $0x10;
	s15 =	sld [smem:$0x3FC8]  }
0x92: {  	[smem:s5], [sflag:s4] =	dma.local [hbm:s2], $0x1  }
0x93: {  	_ =	swait.eq [sflag:s4], $0x1  }
0x94: {  	[sflag:s4] =	ssyncset.done $0x0  }
0x95: {  	s16 =	sld [smem:$0x11];
	[sflag:s4] =	ssyncadd.s32 $0xFFFFFFFF  }
0x96: {  	s17 =	sld [smem:$0x12];
	(tm) =	ssettm $0x1  }
0x97: {  	s18 =	sld [smem:$0x3FFB];
	_ =	sdelay $0x3  }
0x98: {  	_ =	strace s18  }
0x99: {  	s5 =	sld [smem:$0x3FFC];
	_ =	sdelay $0x3  }
0x9a: {  	_ =	strace s5  }
0x9b: {  	s5 =	sld [smem:$0x3FFD];
	_ =	sdelay $0x3  }
0x9c: {  	_ =	strace s5  }
0x9d: {  	_ =	strace $0x8FFFFFFF  }
0x9e: {  	s19 =	sld [smem:$0x3FDB];
	_ =	sdelay $0x1  }
0x9f: {  	s6 =	simm.s32 $_scs_section_size  }
0xa0: {  	s7 =	simm.s32 $_size__tile_overlayer_lowered;
	s8 =	simm.s32 $_tile_overlayer_lowered  }
0xa1: {  	s22 =	simm.s32 $0x1BFF;
	s21 =	sshll.u32 s8, $0x1;
	s5 =	sadd.s32 s6, s19  }
0xa2: {  	s9 =	simm.s32 $0x0;
	s20 =	sshll.u32 s7, $0x1;
	s7 =	sadd.s32 s21, s5  }
0xa3: {  	[timem:s9], [sflag:s22] =	dma.local [hbm:s7], s20  }
0xa4: {  	_ =	swait.ge [sflag:s22], s20  }
0xa5: {  	s6 =	ssub.s32 $0x0, s20;
	[sflag:s22] =	ssyncset.done $0x0  }
0xa6: {  	[sflag:s22] =	ssyncadd.s32 s6;
	_ =	sdelay $0x1  }
0xa7: {  	s23 =	simm.s32 $0x1B8B  }
0xa8: {  	_ =	swait.ge [sflag:s23], $0x1  }
0xa9: {  	[sflag:s23] =	ssyncset.done $0x0  }
0xaa: {  	s25 =	simm.s32 $0x1B8E;
	s24 =	sld [smem:$0x3FFE];
	[sflag:s23] =	ssyncadd.s32 $0xFFFFFFFF  }
0xab: {  	s26 =	simm.s32 $execute0_lowered;
	[smem:$0x3FD2] =	sst s25  }
0xac: {  	s7 =	sshll.u32 s26, $0x1;
	_ =	strace $0x80000046;
	[dreg:$0x1] =	wrdreg $0xFFFFFFFF  }
0xad: {  	s28 =	simm.s32 $_size_execute0_lowered;
	s5 =	sadd.s32 s5, s7;
	[dreg:$0x0] =	wrdreg $0x0  }
0xae: {  	s7 =	sshll.u32 s28, $0x1;
	[dreg:$0x2] =	wrdreg s5  }
0xaf: {  	[dreg:$0x3] =	wrdreg s7  }
0xb0: {  	[dreg:$0x4] =	wrdreg $0xC0  }
0xb1: {  	_ =	task [dreg:s9], $0x5FFFF  }
0xb2: {  	[dreg:$0x1] =	wrdreg $0xFFFFFFFF  }
0xb3: {  	[dreg:$0x0] =	wrdreg $0x60  }
0xb4: {  	[dreg:$0x2] =	wrdreg s24  }
0xb5: {  	[dreg:$0x3] =	wrdreg s15  }
0xb6: {  	[dreg:$0x4] =	wrdreg s17  }
0xb7: {  	[dreg:$0x5] =	wrdreg s16  }
0xb8: {  	[dreg:$0x6] =	wrdreg $0x0  }
0xb9: {  	[dreg:$0x7] =	wrdreg $0x9  }
0xba: {  	_ =	task.clear_ibuf [dreg:s9], $0x8FFFF;
	_ =	strace $0x90000046  }
0xbb: {  	s29 =	simm.s32 $0x9;
	_ =	strace $0x80000048  }
0xbc: {  	_ =	swait.ge [sflag:s29], $0x1  }
0xbd: {  	[sflag:s29] =	ssyncadd.s32 $0xFFFFFFFF  }
0xbe: {  	_ =	strace $0x90000048  }
0xbf: {  	_ =	sfence  }
0xc0: {  	s30 =	sld [smem:$0x0];
	_ =	sdelay $0x2  }
0xc1: {  	s31 =	sshll.u32 s1, $0xD;
	s1 =	sshrl.u32 s1, $0x2  }
0xc2: {  	s3 =	sand.u32 $0x4000, s31;
	s1 =	sadd.s32 s1, s30  }
0xc3: {  	s0 =	sor.u32 s3, s0;
	s1 =	sshll.u32 s1, $0x11  }
0xc4: {  	s0 =	sor.u32 s1, s0  }
0xc5: {  	s0 =	sadd.s32 $0x8F2B, s0  }
0xc6: {  	[sflag:s0] =	ssyncadd.remote.s32 $0x1  }
0xc7: {  	_ =	sfence.sel $0xFFFF  }
0xc8: {  	[dreg:$0x0] =	wrdreg $0xFFFFFFFF;
	(pc) =	sbr.abs _section_cstart, $3  }
0xc9: {  	[dreg:$0x1] =	wrdreg $0xFFFFFFFF  }
0xca: {  	_ =	task.clear_ibuf [dreg:s9], $0x2FFFF;
	_ =	strace $0x9FFFFFFF  }
0xcb: {  	(tm) =	ssettm $0x7FFFFFFF  }
tec
execute0_lowered:
.L_overlay_start_1:
0x0: {  	(tag) =	ssettag $0x1  }
0x1: {  	s9 =	rddreg [dreg:$0x0]  }
0x2: {  	s1 =	rddreg [dreg:$0x1]  }
0x3: {  	s13 =	rddreg [dreg:$0x2]  }
0x4: {  	s2 =	rddreg [dreg:$0x4];
	s0 =	stileid.u32  }
0x5: {  	s23 =	srdreg.scid;
	s7 =	sadd.s32 $0x1562, s1;
	s8 =	sadd.s32 $0xAB10, s2  }
0x6: {  	s10 =	sadd.s32 $0x1254, s1;
	s11 =	sadd.s32 $0x92A0, s2;
	s12 =	sadd.s32 $0xF46, s1  }
0x7: {  	s14 =	sadd.s32 $0x7A30, s2;
	s3 =	sadd.s32 $0xC38, s1;
	s4 =	sadd.s32 $0x61C0, s2  }
0x8: {  	s5 =	sadd.s32 $0x92A, s1;
	s6 =	sadd.s32 $0x4950, s2;
	s15 =	sadd.s32 $0x61C, s1  }
0x9: {  	p0 =	sgt.s32 s0, $0x5;
	s16 =	sadd.s32 $0x30E0, s2;
	p1 =	seq.s32 s0, $0x2  }
0xa: {  	p3 =	sgt.s32 s0, $0xB;
	s24 =	sshll.u32 s0, $0x1;
	s19 =	sadd.s32 $0x2DC6, s1  }
0xb: {  	s20 =	sadd.s32 $0x16E30, s2;
	s17 =	sadd.s32 $0x15620, s2;
	s18 =	sadd.s32 $0x27B6, s1  }
0xc: {  	s21 =	sadd.s32 $0x13DB0, s2;
	s22 =	sadd.s32 $0x24A8, s1;
	p2 =	seq.s32 @p0 s0, $0x6  }
0xd: {  	s5 =	smov.u32 @p1 s15;
	s6 =	smov.u32 @p1 s16;
	p5 =	sgt.s32 @p3 s0, $0xD  }
0xe: {  	s16 =	sadd.s32 $0x2AC4, s1;
	p1 =	por !p2, !p0;
	p2 =	seq.s32 @!p0 s0, $0x4  }
0xf: {  	p4 =	por p5, !p3;
	s10 =	smov.u32 @p1 s7;
	s11 =	smov.u32 @p1 s8  }
0x10: {  	p2 =	por !p2, p0;
	p1 =	por !p5, !p3;
	p6 =	seq.s32 @!p4 s0, $0xC  }
0x11: {  	s7 =	rddreg [dreg:$0x5];
	s8 =	simm.s32 $0x0;
	s3 =	smov.u32 @p2 s12  }
0x12: {  	s4 =	smov.u32 @p2 s14;
	p2 =	seq.s32 @!p1 s0, $0xE;
	s14 =	rddreg [dreg:$0x3]  }
0x13: {  	s12 =	sand.u32 $0x1, s23;
	s23 =	sadd.s32 $0x12540, s2;
	[smem:$0x7FF] =	sst s8  }
0x14: {  	p4 =	por @p3 !p2, !p5;
	p2 =	por @p3 !p6, p5;
	s3 =	smov.u32 @p0 s10  }
0x15: {  	s4 =	smov.u32 @p0 s11;
	s25 =	sor.u32 s12, s24;
	_ =	strace $0x80000047  }
0x16: {  	s28 =	ssub.s32 $0x2, s12;
	s10 =	sadd.s32 $0x219A, s1;
	s24 =	sadd.s32 $0x1870, s1  }
0x17: {  	s12 =	sadd.s32 $0x30E, s1;
	p4 =	por !p4, !p3;
	p0 =	por !p2, !p3  }
0x18: {  	s26 =	smul.u32 $0x960, s25;
	s15 =	sshll.u32 s25, $0x3;
	s30 =	sshrl.u32 s28, $0x1  }
0x19: {  	s25 =	sadd.s32 $0xC380, s2;
	s19 =	smov.u32 @p4 s16;
	s20 =	smov.u32 @p4 s17  }
0x1a: {  	s18 =	smov.u32 @p0 s22;
	p4 =	sgt.s32 @!p3 s0, $0x9;
	s21 =	smov.u32 @p0 s23  }
0x1b: {  	s29 =	sadd.s32 s15, s9;
	s31 =	ssub.s32 s28, s30;
	s22 =	sadd.s32 $0x1B7E, s1  }
0x1c: {  	s23 =	sadd.s32 $0xDBF0, s2;
	s13 =	sadd.s32 s13, s15;
	s14 =	sadd.s32 s14, s15  }
0x1d: {  	s15 =	sadd.s32 $0x1870, s2;
	s19 =	smov.u32 @p1 s18;
	p2 =	por !p4, p3  }
0x1e: {  	s20 =	smov.u32 @p1 s21;
	p5 =	por p4, p3;
	s11 =	sadd.s32 s26, s9  }
0x1f: {  	s18 =	sadd.s32 $0x1E8C, s1;
	s21 =	sadd.s32 $0xF460, s2;
	s16 =	sadd.s32 $0x800, s29  }
0x20: {  	s17 =	smax.u32 s31, $0x1;
	s26 =	simm.s32 $0x0;
	p0 =	seq.s32 @!p2 s0, $0xA  }
0x21: {  	v5 =	vlaneseq.u32;
	s9 =	sadd.s32 $0x320800, s11;
	p1 =	por @!p3 !p0, !p4;
	p0 =	seq.s32 @!p5 s0, $0x8  }
0x22: {  	v0 =	vmul.u32 $0x258, v5;
	s11 =	sadd.s32 $0x10CD0, s2;
	p0 =	por @!p3 !p0, p4;
	p1 =	por !p1, p3  }
0x23: {  	v9 =	vimm.f32 $1.000000000e+00;
	v5 =	vmul.u32 $0x2, v5;
	s10 =	smov.u32 @p1 s18;
	s18 =	simm.s32 $0x19F70;
	s11 =	smov.u32 @p1 s21  }
0x24: {  	v1 =	vor.u32 $0x3, v0;
	v2 =	vor.u32 $0x6, v0;
	v3 =	vadd.s32 $0x9, v0;
	p1 =	por !p0, p3;
	p0 =	sgt.s32 s0, $0x7;
	s21 =	simm.s32 $0x2  }
0x25: {  	v4 =	vor.u32 $0x2, v0;
	v6 =	vor.u32 $0x5, v0;
	v7 =	vadd.s32 $0x8, v0;
	s22 =	smov.u32 @p1 s24;
	s23 =	smov.u32 @p1 s25;
	p1 =	sgt.s32 s0, $0x3  }
0x26: {  	v8 =	vadd.s32 $0xB, v0;
	v10 =	vor.u32 $0x1, v5;
	v11 =	vadd.s32 $0x2580, v0;
	s24 =	simm.s32 $0x1EB70;
	s25 =	simm.s32 $0x3;
	s10 =	smov.u32 @p2 s22  }
0x27: {  	v12 =	vadd.s32 $0x2583, v0;
	v13 =	vadd.s32 $0x2586, v0;
	v14 =	vadd.s32 $0x2589, v0;
	s11 =	smov.u32 @p2 s23;
	p2 =	sgt.s32 s0, $0x1;
	s22 =	simm.s32 $0x1EA70  }
0x28: {  	v15 =	vadd.s32 $0x2582, v0;
	v16 =	vadd.s32 $0x2585, v0;
	v17 =	vadd.s32 $0x2588, v0;
	s23 =	simm.s32 $0x1EAF0;
	s10 =	smov.u32 @p3 s19;
	s11 =	smov.u32 @p3 s20  }
0x29: {  	v18 =	vadd.s32 $0x258B, v0;
	v19 =	vor.u32 $0x20, v5;
	v20 =	vor.u32 $0x21, v5;
	p3 =	seq.s32 s0, $0x0;
	s19 =	simm.s32 $0x1870;
	s20 =	simm.s32 $0x1  }
.LBB2_1:
.Ltmp0:
0x2a: {  	(pc) =	sbr.rel @p0 .LBB2_7-.Ltmp0, $2  }
0x2b: {  	_ =	sdelay $0x2  }
0x2c: {  	[tilespmem:s18], [sflag:$0x2] =	stream.linear.gather [hbm4b:s9+s8], $0x4B00, $0x38;
	[tilespmem:$0x1EBF0] =	vst v63  }
.Ltmp1:
0x2d: {  	(pc) =	sbr.rel @p1 .LBB2_6-.Ltmp1, $1  }
0x2e: {  	_ =	sdelay $0x3  }
.Ltmp2:
0x2f: {  	(pc) =	sbr.rel @p2 .LBB2_5-.Ltmp2, $1  }
0x30: {  	_ =	sdelay $0x3  }
.Ltmp3:
0x31: {  	(pc) =	sbr.rel @p3 .LBB2_9-.Ltmp3, $4  }
.Ltmp4:
0x32: {  	(pc) =	sbr.rel @!p3 .LBB2_8-.Ltmp4, $4  }
0x33: {  	_ = 	snop  }
0x34: {  	s28 =	smov.u32 s12  }
0x35: {  	s29 =	smov.u32 s15;
	s31 =	smov.u32 s1;
	s30 =	smov.u32 s2  }
0x36: {  	_ = 	snop  }
.LBB2_7:
.Ltmp5:
0x37: {  	(pc) =	sbr.rel .LBB2_8-.Ltmp5, $2  }
0x38: {  	_ =	sdelay $0x2  }
0x39: {  	s28 =	smov.u32 s10;
	s29 =	smov.u32 s11  }
.LBB2_6:
.Ltmp6:
0x3a: {  	(pc) =	sbr.rel .LBB2_8-.Ltmp6, $2  }
0x3b: {  	_ =	sdelay $0x2  }
0x3c: {  	s28 =	smov.u32 s3;
	s29 =	smov.u32 s4  }
.LBB2_5:
0x3d: {  	s28 =	smov.u32 s5;
	s29 =	smov.u32 s6  }
.LBB2_8:
0x3e: {  	s31 =	smov.u32 s28;
	s30 =	smov.u32 s29  }
.LBB2_9:
0x3f: {  	s28 =	simm.s32 $0x0  }
0x40: {  	[tilespmem:s19], [sflag:$0x1] =	stream.linear.gather [hbm4b:s31+s28], $0x1870, $0x38;
	[tilespmem:$0x1EBF0] =	vst v63  }
0x41: {  	_ =	swait.ge [sflag:s20], $0x1870  }
0x42: {  	[sflag:s20] =	ssyncset.done $0x0  }
0x43: {  	[sflag:s20] =	ssyncadd.s32 $0xFFFFE790  }
0x44: {  	[spmem:s30] =	stream.linear.scatter [tilespmem:s19], [sflag:$0x1], $0x1870, $0x38;
	[tilespmem:$0x1EBF0] =	vst v63  }
0x45: {  	_ =	swait.ge [sflag:s20], $0x1870  }
0x46: {  	[sflag:s20] =	ssyncset.done $0x0  }
0x47: {  	[sflag:s20] =	ssyncadd.s32 $0xFFFFE790  }
0x48: {  	[bflag:$0x0] =	sbarrier.arrive $0xFFFF  }
0x49: {  	[tilespmem:s19], [sflag:$0x1] =	stream.linear.gather [spmem:s2], $0x18700, $0x38;
	[tilespmem:$0x1EBF0] =	vst v63  }
0x4a: {  	_ =	swait.ge [sflag:s21], $0x4B00  }
0x4b: {  	v21 =	vadd.s32 s28, v4;
	[sflag:s21] =	ssyncset.done $0x0  }
0x4c: {  	v22 =	vadd.s32 s28, v3;
	[sflag:s21] =	ssyncadd.s32 $0xFFFFB500  }
0x4d: {  	v23 =	vadd.s32 s28, v6;
	_ =	swait.ge [sflag:s20], $0x18700  }
0x4e: {  	v24 =	vadd.s32 s28, v7;
	[sflag:s20] =	ssyncset.done $0x0  }
0x4f: {  	v25 =	vadd.s32 s28, v0;
	[sflag:s20] =	ssyncadd.s32 $0xFFFE7900  }
0x50: {  	v26 =	vadd.s32 s28, v1;
	v21 =	vld.idx.msk [tilespmem:v21+s18+$0x0], $0xffff  }
0x51: {  	v27 =	vadd.s32 s28, v8;
	v22 =	vld.idx.msk [tilespmem:v22+s18+$0x0], $0xffff  }
0x52: {  	v23 =	vld.idx.msk [tilespmem:v23+s18+$0x0], $0xffff  }
0x53: {  	v28 =	vadd.s32 s28, v2;
	v24 =	vld.idx.msk [tilespmem:v24+s18+$0x0], $0xffff  }
0x54: {  	v25 =	vld.idx.msk [tilespmem:v25+s18+$0x0], $0xffff  }
0x55: {  	v29 =	vld.idx.msk [tilespmem:v26+s18+$0x0], $0xffff  }
0x56: {  	v26 =	vld.idx.msk [tilespmem:v27+s18+$0x0], $0xffff;
	_ =	sdelay $0x1  }
0x57: {  	v30 =	vimm.f32 $0.0e+00;
	s28 =	simm.s32 $0xC;
	v27 =	vld.idx.msk [tilespmem:v28+s18+$0x0], $0xffff  }
0x58: {  	v32 =	vadd.s32 s28, v4;
	v34 =	vadd.s32 s28, v6;
	v35 =	vadd.s32 s28, v8  }
0x59: {  	v36 =	vadd.s32 s28, v0;
	vm0 =	veq.s32 v22, $0x3;
	vm1 =	veq.s32 v25, $0x3;
	v21 =	vld.idx.msk [tilespmem:v21+s19+$0x0], $0xffff  }
0x5a: {  	v31 =	vsel vm0, $0x0, v9;
	vm0 =	veq.s32 v22, $0x0;
	v22 =	vadd.s32 s28, v3  }
0x5b: {  	v28 =	vimm.f32 $1.000000000e+00;
	v33 =	vsel vm1, $0x0, v9;
	vm1 =	veq.s32 v29, $0x3;
	v23 =	vld.idx.msk [tilespmem:v23+s19+$0x0], $0xffff  }
0x5c: {  	v28 =	vmul.f32 v33, v28;
	v57 =	vsel vm1, $0x0, v9;
	vm1 =	veq.s32 v27, $0x3;
	v24 =	vld.idx.msk [tilespmem:v24+s19+$0x0], $0xffff  }
0x5d: {  	vm2 =	veq.s32 v27, $0x0;
	v27 =	vadd.s32 s28, v7;
	v37 =	vsel vm1, $0x0, v9;
	v38 =	vld.idx.msk [tilespmem:v26+s19+$0x0], $0xffff  }
0x5e: {  	vm1 =	veq.s32 v25, $0x0;
	v26 =	vld.idx.msk [tilespmem:v32+s18+$0x0], $0xffff;
	v25 =	vmul.f32 v57, v28;
	v39 =	vmul.f32 v21, v28  }
0x5f: {  	v58 =	vadd.s32 s28, v1;
	vm3 =	veq.s32 v29, $0x0;
	v59 =	vadd.f32 v28, v30;
	v21 =	vld.idx.msk [tilespmem:v22+s18+$0x0], $0xffff  }
0x60: {  	v37 =	vmul.f32 v37, v25;
	v29 =	vmul.f32 v23, v25;
	v28 =	vld.idx.msk [tilespmem:v34+s18+$0x0], $0xffff;
	v22 =	vnsel vm1, $0x0, v39  }
0x61: {  	v60 =	vadd.s32 s28, v2;
	v33 =	vadd.f32 v25, v59;
	v39 =	vsub.f32 v39, v22  }
0x62: {  	v27 =	vld.idx.msk [tilespmem:v27+s18+$0x0], $0xffff;
	v40 =	vmul.f32 v24, v37;
	v61 =	vnsel vm3, $0x0, v29;
	v22 =	vadd.f32 v22, v30  }
0x63: {  	v23 =	vld.idx.msk [tilespmem:v35+s18+$0x0], $0xffff;
	v29 =	vsub.f32 v29, v61;
	v39 =	vadd.f32 v39, v30;
	v30 =	vmul.f32 v31, v37  }
0x64: {  	v25 =	vld.idx.msk [tilespmem:v36+s18+$0x0], $0xffff;
	v63 =	vadd.f32 v37, v33;
	v62 =	vnsel vm2, $0x0, v40;
	v22 =	vadd.f32 v61, v22  }
0x65: {  	v24 =	vld.idx.msk [tilespmem:v58+s18+$0x0], $0xffff;
	v33 =	vsub.f32 v40, v62;
	v32 =	vadd.f32 v29, v39;
	v31 =	vmul.f32 v38, v30  }
0x66: {  	s28 =	simm.s32 $0x18;
	vm1 =	veq.s32 v21, $0x3;
	v29 =	vld.idx.msk [tilespmem:v60+s18+$0x0], $0xffff;
	v34 =	vadd.f32 v62, v22;
	v22 =	vadd.f32 v30, v63  }
.LBB2_10:
0x67: {  	p4 =	sne.s32 s28, $0x24C;
	v35 =	vld.idx.msk [tilespmem:v26+s19+$0x0], $0xffff;
	v36 =	vsel vm1, $0x0, v9;
	v26 =	vnsel vm0, $0x0, v31;
	vm0 =	veq.s32 v21, $0x0;
	s29 =	smov.u32 s28;
	s28 =	sadd.s32 $0xC, s28  }
0x68: {  	v21 =	vadd.s32 s29, v3;
	v37 =	vld.idx.msk [tilespmem:v28+s19+$0x0], $0xffff;
	v28 =	vadd.f32 v33, v32;
	v31 =	vsub.f32 v31, v26  }
0x69: {  	v32 =	vadd.s32 s29, v4;
	vm1 =	veq.s32 v25, $0x3;
	v33 =	vadd.f32 v26, v34  }
0x6a: {  	v26 =	vsel vm1, $0x0, v9;
	vm1 =	veq.s32 v24, $0x3;
	v31 =	vadd.f32 v31, v28  }
0x6b: {  	v34 =	vadd.s32 s29, v8;
	v28 =	vadd.s32 s29, v6;
	v30 =	vmul.f32 v26, v30  }
0x6c: {  	vm2 =	veq.s32 v29, $0x3;
	v38 =	vld.idx.msk [tilespmem:v27+s19+$0x0], $0xffff;
	v27 =	vsel vm1, $0x0, v9;
	vm1 =	veq.s32 v29, $0x0  }
0x6d: {  	v39 =	vadd.s32 s29, v7;
	v29 =	vadd.s32 s29, v0;
	v40 =	vld.idx.msk [tilespmem:v23+s19+$0x0], $0xffff;
	v23 =	vsel vm2, $0x0, v9  }
0x6e: {  	vm2 =	veq.s32 v25, $0x0;
	v25 =	vmul.f32 v27, v30;
	v26 =	vld.idx.msk [tilespmem:v32+s18+$0x0], $0xffff;
	v32 =	vmul.f32 v35, v30  }
0x6f: {  	vm3 =	veq.s32 v24, $0x0;
	v22 =	vadd.f32 v30, v22;
	v35 =	vadd.s32 s29, v1;
	v21 =	vld.idx.msk [tilespmem:v21+s18+$0x0], $0xffff  }
0x70: {  	v30 =	vmul.f32 v37, v25;
	v37 =	vmul.f32 v23, v25;
	v28 =	vld.idx.msk [tilespmem:v28+s18+$0x0], $0xffff;
	v24 =	vnsel vm2, $0x0, v32  }
0x71: {  	v41 =	vadd.s32 s29, v2;
	v22 =	vadd.f32 v25, v22;
	v23 =	vld.idx.msk [tilespmem:v34+s18+$0x0], $0xffff;
	v32 =	vsub.f32 v32, v24  }
.Ltmp7:
0x72: {  	v33 =	vadd.f32 v24, v33;
	v34 =	vnsel vm3, $0x0, v30;
	v38 =	vmul.f32 v38, v37;
	v27 =	vld.idx.msk [tilespmem:v39+s18+$0x0], $0xffff;
	(pc) =	sbr.rel @p4 .LBB2_10-.Ltmp7, $4  }
0x73: {  	v25 =	vld.idx.msk [tilespmem:v29+s18+$0x0], $0xffff;
	v29 =	vadd.f32 v32, v31;
	v31 =	vsub.f32 v30, v34;
	v30 =	vmul.f32 v36, v37  }
0x74: {  	v22 =	vadd.f32 v37, v22;
	v34 =	vadd.f32 v34, v33;
	v24 =	vld.idx.msk [tilespmem:v35+s18+$0x0], $0xffff;
	v35 =	vnsel vm1, $0x0, v38  }
0x75: {  	v32 =	vadd.f32 v31, v29;
	v33 =	vsub.f32 v38, v35;
	v31 =	vmul.f32 v40, v30  }
0x76: {  	vm1 =	veq.s32 v21, $0x3;
	v34 =	vadd.f32 v35, v34;
	v22 =	vadd.f32 v30, v22;
	v29 =	vld.idx.msk [tilespmem:v41+s18+$0x0], $0xffff  }
0x77: {  	_ =	sdelay $0x3  }
0x78: {  	v26 =	vld.idx.msk [tilespmem:v26+s19+$0x0], $0xffff  }
0x79: {  	vm2 =	veq.s32 v25, $0x3  }
0x7a: {  	v35 =	vsel vm1, $0x0, v9;
	v36 =	vnsel vm0, $0x0, v31;
	v28 =	vld.idx.msk [tilespmem:v28+s19+$0x0], $0xffff;
	v37 =	vsel vm2, $0x0, v9  }
0x7b: {  	v32 =	vadd.f32 v33, v32;
	vm0 =	veq.s32 v24, $0x3;
	v30 =	vmul.f32 v37, v30  }
0x7c: {  	v27 =	vld.idx.msk [tilespmem:v27+s19+$0x0], $0xffff;
	v31 =	vsub.f32 v31, v36;
	v46 =	vadd.f32 v36, v34;
	v47 =	vsel vm0, $0x0, v9  }
0x7d: {  	vm0 =	veq.s32 v29, $0x3;
	v26 =	vmul.f32 v26, v30;
	v34 =	vmul.f32 v47, v30  }
0x7e: {  	v23 =	vld.idx.msk [tilespmem:v23+s19+$0x0], $0xffff;
	v31 =	vadd.f32 v31, v32;
	v48 =	vsel vm0, $0x0, v9;
	vm0 =	veq.s32 v25, $0x0  }
0x7f: {  	v25 =	vnsel vm0, $0x0, v26;
	v28 =	vmul.f32 v28, v34;
	v32 =	vmul.f32 v48, v34  }
0x80: {  	vm0 =	veq.s32 v24, $0x0;
	v24 =	vsub.f32 v26, v25;
	v25 =	vadd.f32 v25, v46  }
0x81: {  	v26 =	vnsel vm0, $0x0, v28;
	v27 =	vmul.f32 v27, v32;
	v49 =	vmul.f32 v35, v32  }
0x82: {  	vm0 =	veq.s32 v29, $0x0;
	v24 =	vadd.f32 v24, v31;
	v28 =	vsub.f32 v28, v26  }
0x83: {  	v25 =	vadd.f32 v26, v25;
	v26 =	vnsel vm0, $0x0, v27;
	v23 =	vmul.f32 v23, v49  }
0x84: {  	vm0 =	veq.s32 v21, $0x0;
	v21 =	vadd.f32 v28, v24;
	v24 =	vsub.f32 v27, v26  }
0x85: {  	v25 =	vadd.f32 v26, v25;
	v26 =	vnsel vm0, $0x0, v23  }
0x86: {  	v21 =	vadd.f32 v24, v21;
	v23 =	vsub.f32 v23, v26;
	_ =	sdelay $0x1  }
0x87: {  	v24 =	vadd.f32 v26, v25;
	v21 =	vadd.f32 v23, v21;
	_ =	sdelay $0x1  }
0x88: {  	v23 =	vmax.f32 v24, v21  }
0x89: {  	v24 =	vsub.f32 v24, v23  }
0x8a: {  	v21 =	vsub.f32 v21, v23  }
0x8b: {  	v23 =	vmul.f32 $1.442695020e+00, v24  }
0x8c: {  	v21 =	vmul.f32 $1.442695020e+00, v21  }
0x8d: {  	(erf) = vpow2.f32 v23  }
0x8e: {  	(erf) = vpow2.f32 v21;
	_ =	sdelay $0x7  }
0x8f: {  	v21 =	vpop (erf)  }
0x90: {  	v23 =	vpop (erf)  }
0x91: {  	v24 =	vadd.f32 v23, v21;
	_ =	sdelay $0x1  }
0x92: {  	(erf) = vrcp.f32 v24;
	_ =	sdelay $0x3  }
0x93: {  	v22 =	vadd.f32 v30, v22;
	_ =	sdelay $0x1  }
0x94: {  	v22 =	vadd.f32 v34, v22;
	_ =	sdelay $0x1  }
0x95: {  	v22 =	vadd.f32 v32, v22  }
0x96: {  	v24 =	vpop (erf)  }
0x97: {  	v22 =	vadd.f32 v49, v22;
	v21 =	vmul.f32 v24, v21;
	v23 =	vmul.f32 v24, v23;
	_ =	sdelay $0x1  }
0x98: {  	v24 =	vmul.f32 v21, v22;
	v22 =	vmul.f32 v23, v22;
	_ =	sdelay $0x1  }
0x99: {  	v25 =	vadd.f32 v22, v24;
	_ =	sdelay $0x1  }
0x9a: {  	v26 =	vmul.f32 v25, v25;
	v27 =	vadd.f32 $1.000000000e+00, v25;
	_ =	sdelay $0x1  }
0x9b: {  	v26 =	vmul.f32 v27, v26  }
0x9c: {  	(erf) = vrcp.f32 v25  }
0x9d: {  	(erf) = vrcp.f32 v26;
	_ =	sdelay $0x7  }
0x9e: {  	v26 =	vmul.f32 v24, v22;
	v25 =	vpop (erf)  }
0x9f: {  	v27 =	vpop (erf)  }
0xa0: {  	v26 =	vmul.f32 v27, v26;
	_ =	sdelay $0x1  }
0xa1: {  	v27 =	vshrl.u32 v26, $0x1;
	v28 =	vmul.f32 $5.000000000e-01, v26  }
0xa2: {  	v27 =	vsub.s32 $0x5F3759DF, v27  }
0xa3: {  	v29 =	vmul.f32 v27, v28;
	_ =	sdelay $0x1  }
0xa4: {  	v29 =	vmul.f32 v27, v29;
	_ =	sdelay $0x1  }
0xa5: {  	v29 =	vsub.f32 $1.500000000e+00, v29;
	_ =	sdelay $0x1  }
0xa6: {  	v27 =	vmul.f32 v27, v29;
	_ =	sdelay $0x1  }
0xa7: {  	v29 =	vmul.f32 v27, v28;
	_ =	sdelay $0x1  }
0xa8: {  	v29 =	vmul.f32 v29, v27;
	_ =	sdelay $0x1  }
0xa9: {  	v29 =	vsub.f32 $1.500000000e+00, v29;
	_ =	sdelay $0x1  }
0xaa: {  	v27 =	vmul.f32 v29, v27;
	_ =	sdelay $0x1  }
0xab: {  	v28 =	vmul.f32 v27, v28;
	_ =	sdelay $0x1  }
0xac: {  	v28 =	vmul.f32 v28, v27;
	_ =	sdelay $0x1  }
0xad: {  	v28 =	vsub.f32 $1.500000000e+00, v28;
	_ =	sdelay $0x1  }
0xae: {  	v27 =	vmul.f32 v28, v27  }
0xaf: {  	s28 =	simm.s32 $0x0;
	[tilespmem:v5+s22+$0x0] =	vst.idx.msk $0xffff, v21;
	v25 =	vmul.f32 v25, v22  }
0xb0: {  	[tilespmem:v10+s22+$0x0] =	vst.idx.msk $0xffff, v23;
	v23 =	vadd.s32 s28, v15;
	v21 =	vmul.f32 v27, v26  }
0xb1: {  	[tilespmem:v5+s23+$0x0] =	vst.idx.msk $0xffff, v25;
	v25 =	vadd.s32 s28, v14  }
0xb2: {  	v26 =	vadd.s32 s28, v12;
	[tilespmem:v10+s23+$0x0] =	vst.idx.msk $0xffff, v21  }
0xb3: {  	v27 =	vadd.s32 s28, v18;
	[tilespmem:v5+s24+$0x0] =	vst.idx.msk $0xffff, v24  }
0xb4: {  	v21 =	vadd.s32 s28, v16;
	[tilespmem:v10+s24+$0x0] =	vst.idx.msk $0xffff, v22  }
0xb5: {  	v24 =	vadd.s32 s28, v17;
	v23 =	vld.idx.msk [tilespmem:v23+s18+$0x0], $0xffff  }
0xb6: {  	v22 =	vadd.s32 s28, v11;
	v25 =	vld.idx.msk [tilespmem:v25+s18+$0x0], $0xffff  }
0xb7: {  	v29 =	vld.idx.msk [tilespmem:v26+s18+$0x0], $0xffff  }
0xb8: {  	v28 =	vadd.s32 s28, v13;
	v26 =	vld.idx.msk [tilespmem:v27+s18+$0x0], $0xffff  }
0xb9: {  	v21 =	vld.idx.msk [tilespmem:v21+s18+$0x0], $0xffff  }
0xba: {  	v24 =	vld.idx.msk [tilespmem:v24+s18+$0x0], $0xffff  }
0xbb: {  	v22 =	vld.idx.msk [tilespmem:v22+s18+$0x0], $0xffff;
	_ =	sdelay $0x1  }
0xbc: {  	v30 =	vimm.f32 $0.0e+00;
	s28 =	simm.s32 $0xC;
	v27 =	vld.idx.msk [tilespmem:v28+s18+$0x0], $0xffff  }
0xbd: {  	v28 =	vimm.f32 $1.000000000e+00;
	v50 =	vadd.s32 s28, v15;
	vm0 =	veq.s32 v25, $0x3  }
0xbe: {  	v53 =	vadd.s32 s28, v16;
	v54 =	vadd.s32 s28, v18;
	v31 =	vsel vm0, $0x0, v9;
	v23 =	vld.idx.msk [tilespmem:v23+s19+$0x0], $0xffff  }
0xbf: {  	vm0 =	veq.s32 v25, $0x0;
	v25 =	vadd.s32 s28, v14;
	vm1 =	veq.s32 v22, $0x3  }
0xc0: {  	v55 =	vadd.s32 s28, v11;
	v51 =	vsel vm1, $0x0, v9;
	vm1 =	veq.s32 v29, $0x3;
	v52 =	vld.idx.msk [tilespmem:v21+s19+$0x0], $0xffff  }
0xc1: {  	v38 =	vld.idx.msk [tilespmem:v26+s19+$0x0], $0xffff;
	v21 =	vmul.f32 v51, v28;
	v28 =	vsel vm1, $0x0, v9;
	vm1 =	veq.s32 v27, $0x3  }
0xc2: {  	vm2 =	veq.s32 v27, $0x0;
	v24 =	vld.idx.msk [tilespmem:v24+s19+$0x0], $0xffff;
	v27 =	vadd.s32 s28, v17;
	v56 =	vsel vm1, $0x0, v9  }
0xc3: {  	v26 =	vld.idx.msk [tilespmem:v50+s18+$0x0], $0xffff;
	vm1 =	veq.s32 v22, $0x0;
	v23 =	vmul.f32 v23, v21;
	v22 =	vmul.f32 v28, v21  }
0xc4: {  	v57 =	vadd.s32 s28, v12;
	vm3 =	veq.s32 v29, $0x0;
	v39 =	vadd.f32 v21, v30;
	v21 =	vld.idx.msk [tilespmem:v25+s18+$0x0], $0xffff  }
0xc5: {  	v28 =	vld.idx.msk [tilespmem:v53+s18+$0x0], $0xffff;
	v25 =	vnsel vm1, $0x0, v23;
	v29 =	vmul.f32 v52, v22;
	v58 =	vmul.f32 v56, v22  }
0xc6: {  	v59 =	vadd.s32 s28, v13;
	v22 =	vadd.f32 v22, v39;
	v60 =	vsub.f32 v23, v25  }
0xc7: {  	v23 =	vld.idx.msk [tilespmem:v54+s18+$0x0], $0xffff;
	v61 =	vadd.f32 v25, v30;
	v62 =	vnsel vm3, $0x0, v29;
	v40 =	vmul.f32 v24, v58  }
0xc8: {  	v27 =	vld.idx.msk [tilespmem:v27+s18+$0x0], $0xffff;
	v37 =	vadd.f32 v60, v30;
	v29 =	vsub.f32 v29, v62;
	v30 =	vmul.f32 v31, v58  }
0xc9: {  	v25 =	vld.idx.msk [tilespmem:v55+s18+$0x0], $0xffff;
	v22 =	vadd.f32 v58, v22;
	v36 =	vadd.f32 v62, v61;
	v63 =	vnsel vm2, $0x0, v40  }
0xca: {  	v24 =	vld.idx.msk [tilespmem:v57+s18+$0x0], $0xffff;
	v33 =	vadd.f32 v29, v37;
	v34 =	vsub.f32 v40, v63;
	v31 =	vmul.f32 v38, v30  }
0xcb: {  	s28 =	simm.s32 $0x18;
	vm1 =	veq.s32 v21, $0x3;
	v29 =	vld.idx.msk [tilespmem:v59+s18+$0x0], $0xffff;
	v32 =	vadd.f32 v63, v36;
	v22 =	vadd.f32 v30, v22  }
.LBB2_12:
0xcc: {  	p4 =	sne.s32 s28, $0x24C;
	v35 =	vld.idx.msk [tilespmem:v26+s19+$0x0], $0xffff;
	v36 =	vsel vm1, $0x0, v9;
	v26 =	vnsel vm0, $0x0, v31;
	vm0 =	veq.s32 v21, $0x0;
	s29 =	smov.u32 s28;
	s28 =	sadd.s32 $0xC, s28  }
0xcd: {  	v21 =	vadd.s32 s29, v14;
	v37 =	vld.idx.msk [tilespmem:v28+s19+$0x0], $0xffff;
	v28 =	vadd.f32 v34, v33;
	v31 =	vsub.f32 v31, v26  }
0xce: {  	v33 =	vadd.s32 s29, v15;
	vm1 =	veq.s32 v25, $0x3;
	v32 =	vadd.f32 v26, v32  }
0xcf: {  	v26 =	vsel vm1, $0x0, v9;
	vm1 =	veq.s32 v24, $0x3;
	v31 =	vadd.f32 v31, v28  }
0xd0: {  	v34 =	vadd.s32 s29, v18;
	v28 =	vadd.s32 s29, v16;
	v30 =	vmul.f32 v26, v30  }
0xd1: {  	vm2 =	veq.s32 v29, $0x3;
	v38 =	vld.idx.msk [tilespmem:v27+s19+$0x0], $0xffff;
	v27 =	vsel vm1, $0x0, v9;
	vm1 =	veq.s32 v29, $0x0  }
0xd2: {  	v39 =	vadd.s32 s29, v17;
	v29 =	vadd.s32 s29, v11;
	v40 =	vld.idx.msk [tilespmem:v23+s19+$0x0], $0xffff;
	v23 =	vsel vm2, $0x0, v9  }
0xd3: {  	vm2 =	veq.s32 v25, $0x0;
	v25 =	vmul.f32 v27, v30;
	v26 =	vld.idx.msk [tilespmem:v33+s18+$0x0], $0xffff;
	v33 =	vmul.f32 v35, v30  }
0xd4: {  	vm3 =	veq.s32 v24, $0x0;
	v22 =	vadd.f32 v30, v22;
	v35 =	vadd.s32 s29, v12;
	v21 =	vld.idx.msk [tilespmem:v21+s18+$0x0], $0xffff  }
0xd5: {  	v30 =	vmul.f32 v37, v25;
	v37 =	vmul.f32 v23, v25;
	v28 =	vld.idx.msk [tilespmem:v28+s18+$0x0], $0xffff;
	v24 =	vnsel vm2, $0x0, v33  }
0xd6: {  	v41 =	vadd.s32 s29, v13;
	v22 =	vadd.f32 v25, v22;
	v23 =	vld.idx.msk [tilespmem:v34+s18+$0x0], $0xffff;
	v33 =	vsub.f32 v33, v24  }
.Ltmp8:
0xd7: {  	v32 =	vadd.f32 v24, v32;
	v34 =	vnsel vm3, $0x0, v30;
	v38 =	vmul.f32 v38, v37;
	v27 =	vld.idx.msk [tilespmem:v39+s18+$0x0], $0xffff;
	(pc) =	sbr.rel @p4 .LBB2_12-.Ltmp8, $4  }
0xd8: {  	v25 =	vld.idx.msk [tilespmem:v29+s18+$0x0], $0xffff;
	v29 =	vadd.f32 v33, v31;
	v31 =	vsub.f32 v30, v34;
	v30 =	vmul.f32 v36, v37  }
0xd9: {  	v22 =	vadd.f32 v37, v22;
	v32 =	vadd.f32 v34, v32;
	v24 =	vld.idx.msk [tilespmem:v35+s18+$0x0], $0xffff;
	v35 =	vnsel vm1, $0x0, v38  }
0xda: {  	v33 =	vadd.f32 v31, v29;
	v34 =	vsub.f32 v38, v35;
	v31 =	vmul.f32 v40, v30  }
0xdb: {  	vm1 =	veq.s32 v21, $0x3;
	v32 =	vadd.f32 v35, v32;
	v22 =	vadd.f32 v30, v22;
	v29 =	vld.idx.msk [tilespmem:v41+s18+$0x0], $0xffff  }
0xdc: {  	_ =	sdelay $0x3  }
0xdd: {  	v26 =	vld.idx.msk [tilespmem:v26+s19+$0x0], $0xffff  }
0xde: {  	vm2 =	veq.s32 v25, $0x3  }
0xdf: {  	v33 =	vadd.f32 v34, v33;
	v44 =	vsel vm1, $0x0, v9;
	v28 =	vld.idx.msk [tilespmem:v28+s19+$0x0], $0xffff;
	v35 =	vsel vm2, $0x0, v9  }
0xe0: {  	v45 =	vnsel vm0, $0x0, v31;
	vm10 =	veq.s32 v24, $0x3;
	v30 =	vmul.f32 v35, v30  }
0xe1: {  	v27 =	vld.idx.msk [tilespmem:v27+s19+$0x0], $0xffff;
	v31 =	vsub.f32 v31, v45;
	v32 =	vadd.f32 v45, v32;
	v46 =	vsel vm10, $0x0, v9  }
0xe2: {  	vm11 =	veq.s32 v29, $0x3;
	v26 =	vmul.f32 v26, v30;
	v35 =	vmul.f32 v46, v30  }
0xe3: {  	v23 =	vld.idx.msk [tilespmem:v23+s19+$0x0], $0xffff;
	vm12 =	veq.s32 v25, $0x0;
	v31 =	vadd.f32 v31, v33;
	v47 =	vsel vm11, $0x0, v9  }
0xe4: {  	v25 =	vnsel vm12, $0x0, v26;
	v28 =	vmul.f32 v28, v35;
	v33 =	vmul.f32 v47, v35  }
0xe5: {  	vm13 =	veq.s32 v24, $0x0;
	v48 =	vsub.f32 v26, v25;
	v25 =	vadd.f32 v25, v32  }
0xe6: {  	v49 =	vnsel vm13, $0x0, v28;
	v27 =	vmul.f32 v27, v33;
	v50 =	vmul.f32 v44, v33  }
0xe7: {  	vm14 =	veq.s32 v29, $0x0;
	v24 =	vadd.f32 v48, v31;
	v28 =	vsub.f32 v28, v49  }
0xe8: {  	v25 =	vadd.f32 v49, v25;
	v51 =	vnsel vm14, $0x0, v27;
	v23 =	vmul.f32 v23, v50  }
0xe9: {  	vm15 =	veq.s32 v21, $0x0;
	v21 =	vadd.f32 v28, v24;
	v52 =	vsub.f32 v27, v51  }
0xea: {  	v25 =	vadd.f32 v51, v25;
	v53 =	vnsel vm15, $0x0, v23  }
0xeb: {  	v21 =	vadd.f32 v52, v21;
	v23 =	vsub.f32 v23, v53;
	_ =	sdelay $0x1  }
0xec: {  	v54 =	vadd.f32 v53, v25;
	v21 =	vadd.f32 v23, v21;
	_ =	sdelay $0x1  }
0xed: {  	v23 =	vmax.f32 v54, v21  }
0xee: {  	v24 =	vsub.f32 v54, v23  }
0xef: {  	v21 =	vsub.f32 v21, v23  }
0xf0: {  	v23 =	vmul.f32 $1.442695020e+00, v24  }
0xf1: {  	v21 =	vmul.f32 $1.442695020e+00, v21  }
0xf2: {  	(erf) = vpow2.f32 v23  }
0xf3: {  	(erf) = vpow2.f32 v21;
	_ =	sdelay $0x7  }
0xf4: {  	v21 =	vpop (erf)  }
0xf5: {  	v23 =	vpop (erf)  }
0xf6: {  	v55 =	vadd.f32 v23, v21;
	_ =	sdelay $0x1  }
0xf7: {  	(erf) = vrcp.f32 v55;
	_ =	sdelay $0x3  }
0xf8: {  	v22 =	vadd.f32 v30, v22;
	_ =	sdelay $0x1  }
0xf9: {  	v22 =	vadd.f32 v35, v22;
	_ =	sdelay $0x1  }
0xfa: {  	v22 =	vadd.f32 v33, v22  }
0xfb: {  	v24 =	vpop (erf)  }
0xfc: {  	v22 =	vadd.f32 v50, v22;
	v21 =	vmul.f32 v24, v21;
	v23 =	vmul.f32 v24, v23;
	_ =	sdelay $0x1  }
0xfd: {  	v56 =	vmul.f32 v21, v22;
	v22 =	vmul.f32 v23, v22;
	_ =	sdelay $0x1  }
0xfe: {  	v57 =	vadd.f32 v22, v56;
	_ =	sdelay $0x1  }
0xff: {  	v58 =	vmul.f32 v57, v57;
	v59 =	vadd.f32 $1.000000000e+00, v57;
	_ =	sdelay $0x1  }
0x100: {  	v26 =	vmul.f32 v59, v58  }
0x101: {  	(erf) = vrcp.f32 v57  }
0x102: {  	(erf) = vrcp.f32 v26;
	_ =	sdelay $0x7  }
0x103: {  	v60 =	vmul.f32 v56, v22;
	v25 =	vpop (erf)  }
0x104: {  	v61 =	vpop (erf)  }
0x105: {  	v26 =	vmul.f32 v61, v60;
	_ =	sdelay $0x1  }
0x106: {  	v27 =	vshrl.u32 v26, $0x1;
	v62 =	vmul.f32 $5.000000000e-01, v26  }
0x107: {  	v27 =	vsub.s32 $0x5F3759DF, v27  }
0x108: {  	v63 =	vmul.f32 v27, v62;
	_ =	sdelay $0x1  }
0x109: {  	v29 =	vmul.f32 v27, v63;
	_ =	sdelay $0x1  }
0x10a: {  	v29 =	vsub.f32 $1.500000000e+00, v29;
	_ =	sdelay $0x1  }
0x10b: {  	v27 =	vmul.f32 v27, v29;
	_ =	sdelay $0x1  }
0x10c: {  	v29 =	vmul.f32 v27, v62;
	_ =	sdelay $0x1  }
0x10d: {  	v29 =	vmul.f32 v29, v27;
	_ =	sdelay $0x1  }
0x10e: {  	v29 =	vsub.f32 $1.500000000e+00, v29;
	_ =	sdelay $0x1  }
0x10f: {  	v27 =	vmul.f32 v29, v27;
	_ =	sdelay $0x1  }
0x110: {  	v28 =	vmul.f32 v27, v62;
	_ =	sdelay $0x1  }
0x111: {  	v28 =	vmul.f32 v28, v27;
	_ =	sdelay $0x1  }
0x112: {  	v28 =	vsub.f32 $1.500000000e+00, v28;
	_ =	sdelay $0x1  }
0x113: {  	v27 =	vmul.f32 v28, v27  }
0x114: {  	[tilespmem:v19+s22+$0x0] =	vst.idx.msk $0xffff, v21;
	v25 =	vmul.f32 v25, v22  }
0x115: {  	[tilespmem:v20+s22+$0x0] =	vst.idx.msk $0xffff, v23;
	v21 =	vmul.f32 v27, v26  }
0x116: {  	[tilespmem:v19+s23+$0x0] =	vst.idx.msk $0xffff, v25  }
0x117: {  	[tilespmem:v20+s23+$0x0] =	vst.idx.msk $0xffff, v21  }
0x118: {  	[tilespmem:v19+s24+$0x0] =	vst.idx.msk $0xffff, v56  }
0x119: {  	[tilespmem:v20+s24+$0x0] =	vst.idx.msk $0xffff, v22  }
0x11a: {  	[hbm4b:s13+s8] =	stream.linear.scatter [tilespmem:s22], [sflag:$0x3], $0x40, $0x38;
	[tilespmem:$0x1EBF0] =	vst v63  }
0x11b: {  	_ =	swait.ge [sflag:s25], $0x40  }
0x11c: {  	[sflag:s25] =	ssyncset.done $0x0  }
0x11d: {  	[sflag:s25] =	ssyncadd.s32 $0xFFFFFFC0  }
0x11e: {  	[hbm4b:s14+s8] =	stream.linear.scatter [tilespmem:s23], [sflag:$0x3], $0x40, $0x38;
	[tilespmem:$0x1EBF0] =	vst v63  }
0x11f: {  	s26 =	sadd.s32 $0x1, s26;
	_ =	swait.ge [sflag:s25], $0x40  }
0x120: {  	p4 =	sne.s32 s26, s17;
	[sflag:s25] =	ssyncset.done $0x0  }
.Ltmp9:
0x121: {  	[sflag:s25] =	ssyncadd.s32 $0xFFFFFFC0;
	(pc) =	sbr.rel @p4 .LBB2_1-.Ltmp9, $4  }
0x122: {  	[hbm4b:s16+s8] =	stream.linear.scatter [tilespmem:s24], [sflag:$0x3], $0x40, $0x38;
	[tilespmem:$0x1EBF0] =	vst v63  }
0x123: {  	_ =	swait.ge [sflag:s25], $0x40  }
0x124: {  	[sflag:s25] =	ssyncset.done $0x0  }
0x125: {  	[sflag:s25] =	ssyncadd.s32 $0xFFFFFFC0  }
0x126: {  	_ =	sfence.sel $0x180000  }
0x127: {  	[bflag:$0x0] =	sbarrier.arrive $0xFFFF  }
0x128: {  	p0 =	sne.s32 s0, $0x0;
	_ =	strace $0x90000047  }
0x129: {  	s0 =	sadd.s32 @!p0 $0x100000, s7;
	[bflag:$0x2] =	sbarrier.arrive $0xFFFF  }
0x12a: {  	[sflag:s0] =	ssyncadd.tile.s32 @!p0 $0x1;
	_ =	shalt  }
.Lfunc_end2:
_tile_overlayer_lowered:
.L_overlay_start_2:
0x12b: {  	(tag) =	ssettag $0x2  }
0x12c: {  	s0 =	rddreg [dreg:$0x0];
	s2 =	stileid.u32  }
0x12d: {  	s1 =	rddreg [dreg:$0x1];
	p0 =	sne.s32 s2, $0x0  }
0x12e: {  	s3 =	rddreg [dreg:$0x2];
	[bflag:$0x3] =	sbarrier.arrive $0xFFFF;
	s2 =	simm.s32 @!p0 $0x1C03  }
0x12f: {  	[timem:s3], [sflag:s2] =	dma.local @!p0 [hbm:s0], s1  }
0x130: {  	s0 =	simm.s32 @!p0 $0x3  }
0x131: {  	_ =	swait.ge @!p0 [sflag:s0], s1  }
0x132: {  	s1 =	ssub.s32 @!p0 $0x0, s1;
	[sflag:s0] =	ssyncset.done @!p0 $0x0  }
0x133: {  	[sflag:s0] =	ssyncadd.s32 @!p0 s1  }
0x134: {  	[bflag:$0x3] =	sbarrier.arrive $0xFFFF  }
0x135: {  	_ =	shalt  }

</sc_bundles>
